<compile_context>
chip_gen: v7x
topology: tpu7x:2x2x1
jax: 0.10.2.dev20260603
libtpu: 0.0.44.dev20260713+nightly
codegen_flags: <defaults>
</compile_context>

<pallas_src>
import jax
import jax.numpy as jnp
from jax.experimental import pallas as pl
from jax.experimental.pallas import tpu as pltpu
from jax.experimental.pallas import tpu_sc as plsc

DIM_OUT = 1000
KB = 8
LB = 1024
VEC = 16


def _sc_body(xcol, kv, o_vmem):
    @pl.loop(0, KB)
    def _(kk):
        k = kv[pl.ds(kk, 1), 0][0]

        @pl.loop(0, LB, step=VEC)
        def _(l):
            vec = xcol.at[0, pl.ds(l, VEC)][...]
            o_vmem.at[kk, pl.ds(l, VEC)][...] = jnp.where(
                vec == k, jnp.float32(1.0), jnp.float32(0.0)
            )


def kernel(x):
    x = x.astype(jnp.int32)
    B, C = x.shape
    xt = x.T
    kvals = jax.lax.broadcasted_iota(jnp.int32, (C * DIM_OUT, 1), 0) % DIM_OUT

    mesh = plsc.VectorSubcoreMesh(core_axis_name="core", subcore_axis_name="subcore")

    @pl.kernel(
        out_type=jax.ShapeDtypeStruct((C * DIM_OUT, B), jnp.float32),
        mesh=mesh,
    )
    def sc_onehot(xt_hbm, kv_hbm, o_hbm):
        def body(xcol_vmem, kv_vmem, o_vmem):
            _sc_body(xcol_vmem, kv_vmem, o_vmem)

        pltpu.emit_pipeline(
            body,
            grid=(C * DIM_OUT // KB, B // LB),
            in_specs=[
                pl.BlockSpec((1, LB), index_map=lambda m, l: ((m * KB) // DIM_OUT, l)),
                pl.BlockSpec((KB, 1), index_map=lambda m, l: (m, 0)),
            ],
            out_specs=[pl.BlockSpec((KB, LB), index_map=lambda m, l: (m, l))],
            core_axis_name=("core", "subcore"),
            dimension_semantics=(pltpu.PARALLEL, pltpu.PARALLEL),
        )(xt_hbm, kv_hbm, o_hbm)

    out_flat = sc_onehot(xt, kvals)
    return jnp.transpose(out_flat.reshape(C, DIM_OUT, B), (2, 0, 1))

# --- scband reference (transcript-rebuilt; emitter-appended) ---
"""Pipeline reference for scband-one-hot-encoder-74045236183664 (READ-ONLY COPY).

The authoritative reference and input builder live on the scoring server;
editing this copy changes nothing except your own understanding.
"""

import jax, jax.numpy as jnp
import numpy as np

DIM = 1000

def setup_inputs(seed: int = 0) -> dict:
    key = jax.random.key(seed)
    x = jax.random.randint(key, (4096, 26), 0, DIM, dtype=jnp.int64 if jax.config.jax_enable_x64 else jnp.int32)
    return {"x": x}

def reference(x):
    # Faithful translation of OneHotEncoder.forward:
    # x = x.long(); x = F.one_hot(x, dim).float()
    x = x.astype(jnp.int32)
    out = jax.nn.one_hot(x, DIM, dtype=jnp.float32)
    return out

if __name__ == "__main__":
    import jax
    _d = setup_inputs()
    print(jax.jit(kernel)(*tuple(_d.values())))

</pallas_src>

<mosaic_0001>
#map = affine_map<(d0, d1) -> (0, 0)>
module attributes {stable_mosaic.version = 14 : i64} {
  func.func @sc_onehot(%arg0: i32, %arg1: i32, %arg2: memref<26x4096xi32, #tpu.memory_space<hbm>>, %arg3: memref<26000x1xi32, #tpu.memory_space<hbm>>, %arg4: memref<26000x4096xf32, #tpu.memory_space<hbm>>) attributes {dimension_semantics = [#tpu.dimension_semantics<core_parallel>, #tpu.dimension_semantics<subcore_parallel>], iteration_bounds = array<i64: 2, 16>, scalar_prefetch = 0 : i64, scratch_operands = 0 : i64, tpu.core_type = #tpu.core_type<sc_vector_subcore>, window_params = [{transform_indices = #map}, {transform_indices = #map}, {transform_indices = #map}]} {
    %mul3A = arith.constant 1 : i32
    %mul3A_0 = arith.muli %arg1, %mul3A : i32
    %add3A = arith.constant 0 : i32
    %add3A_1 = arith.addi %add3A, %mul3A_0 : i32
    %mul3A_2 = arith.constant 16 : i32
    %mul3A_3 = arith.muli %arg0, %mul3A_2 : i32
    %add3A_4 = arith.addi %add3A_1, %mul3A_3 : i32
    %lt3A = arith.constant 18 : i32
    %lt3A_5 = arith.cmpi slt, %add3A_4, %lt3A : i32
    %jit3A = arith.constant 102 : i32
    %jit3A_6 = arith.constant 101 : i32
    %select_n3A = arith.select %lt3A_5, %jit3A, %jit3A_6 : i32
    %lt3A_7 = arith.constant 18 : i32
    %lt3A_8 = arith.cmpi slt, %add3A_4, %lt3A_7 : i32
    %mul3A_9 = arith.muli %add3A_4, %select_n3A : i32
    %mul3A_10 = arith.constant 101 : i32
    %mul3A_11 = arith.muli %add3A_4, %mul3A_10 : i32
    %add3A_12 = arith.constant 18 : i32
    %add3A_13 = arith.addi %mul3A_11, %add3A_12 : i32
    %select_n3A_14 = arith.select %lt3A_8, %mul3A_9, %add3A_13 : i32
    %mul3A_15 = arith.constant 1 : i32
    %mul3A_16 = arith.muli %mul3A_15, %select_n3A : i32
    %mul3A_17 = arith.constant 4 : i32
    %mul3A_18 = arith.muli %mul3A_16, %mul3A_17 : i32
    "tpu.region"() ({
      %run_scoped3A = memref.alloca() : memref<2x1x1024xi32, #tpu.memory_space<vmem>>
      %run_scoped3A_19 = tpu.sem_alloc : memref<2x!tpu.dma_semaphore, #tpu.memory_space<semaphore_mem>>
      %run_scoped3A_20 = memref.alloca() : memref<2x8x1xi32, #tpu.memory_space<vmem>>
      %run_scoped3A_21 = tpu.sem_alloc : memref<2x!tpu.dma_semaphore, #tpu.memory_space<semaphore_mem>>
      %run_scoped3A_22 = memref.alloca() : memref<2x8x1024xf32, #tpu.memory_space<vmem>>
      %run_scoped3A_23 = tpu.sem_alloc : memref<2x!tpu.dma_semaphore, #tpu.memory_space<semaphore_mem>>
      %gt3A = arith.constant 0 : i32
      %gt3A_24 = arith.cmpi sgt, %mul3A_18, %gt3A : i32
      %convert_element_type3A = arith.extui %gt3A_24 : i1 to i32
      %cond3A = arith.constant 0 : i32
      %cond3A_25 = arith.cmpi ne, %convert_element_type3A, %cond3A : i32
      scf.if %cond3A_25 {
        %mul3A_26 = arith.constant 1 : i32
        %mul3A_27 = arith.muli %mul3A_26, %select_n3A : i32
        %mul3A_28 = arith.constant 4 : i32
        %mul3A_29 = arith.muli %mul3A_27, %mul3A_28 : i32
        %sub3A = arith.constant 1 : i32
        %sub3A_30 = arith.subi %mul3A_29, %sub3A : i32
        %eq3A = arith.constant 0 : i32
        %eq3A_31 = arith.cmpi eq, %sub3A_30, %eq3A : i32
        %add3A_32 = arith.constant 0 : i32
        %add3A_33 = arith.addi %add3A_32, %select_n3A_14 : i32
        %select_n3A_34 = arith.constant true
        %select_n3A_35 = arith.constant 0 : i32
        %select_n3A_36 = arith.constant -1 : i32
        %select_n3A_37 = arith.select %select_n3A_34, %select_n3A_36, %select_n3A_35 : i32
        %eq3A_38 = arith.constant -1 : i32
        %eq3A_39 = arith.cmpi eq, %select_n3A_37, %eq3A_38 : i32
        %select_n3A_40 = arith.constant 3 : i32
        %select_n3A_41 = arith.select %eq3A_39, %select_n3A_40, %select_n3A_37 : i32
        %select_n3A_42 = arith.constant 0 : i32
        %select_n3A_43 = arith.constant -1 : i32
        %select_n3A_44 = arith.select %eq3A_39, %select_n3A_43, %select_n3A_42 : i32
        %eq3A_45 = arith.constant -1 : i32
        %eq3A_46 = arith.cmpi eq, %select_n3A_44, %eq3A_45 : i32
        %sub3A_47 = arith.constant 1 : i32
        %sub3A_48 = arith.subi %select_n3A, %sub3A_47 : i32
        %select_n3A_49 = arith.select %eq3A_46, %sub3A_48, %select_n3A_44 : i32
        %add3A_50 = arith.addi %select_n3A_49, %select_n3A_14 : i32
        %add3A_51 = arith.constant 0 : i32
        %add3A_52 = arith.addi %select_n3A_41, %add3A_51 : i32
        %select_n3A_53 = arith.constant true
        %select_n3A_54 = arith.constant 0 : i32
        %select_n3A_55 = arith.constant 1 : i32
        %select_n3A_56 = arith.select %select_n3A_53, %select_n3A_55, %select_n3A_54 : i32
        %eq3A_57 = arith.constant 4 : i32
        %eq3A_58 = arith.cmpi eq, %select_n3A_56, %eq3A_57 : i32
        %select_n3A_59 = arith.constant 0 : i32
        %select_n3A_60 = arith.select %eq3A_58, %select_n3A_59, %select_n3A_56 : i32
        %select_n3A_61 = arith.constant 0 : i32
        %select_n3A_62 = arith.constant 1 : i32
        %select_n3A_63 = arith.select %eq3A_58, %select_n3A_62, %select_n3A_61 : i32
        %eq3A_64 = arith.cmpi eq, %select_n3A_63, %select_n3A : i32
        %select_n3A_65 = arith.constant 0 : i32
        %select_n3A_66 = arith.select %eq3A_64, %select_n3A_65, %select_n3A_63 : i32
        %add3A_67 = arith.addi %select_n3A_66, %select_n3A_14 : i32
        %add3A_68 = arith.constant 0 : i32
        %add3A_69 = arith.addi %select_n3A_60, %add3A_68 : i32
        %add3A_70 = arith.constant 1 : i32
        %add3A_71 = arith.addi %select_n3A_60, %add3A_70 : i32
        %select_n3A_72 = arith.constant true
        %select_n3A_73 = arith.select %select_n3A_72, %add3A_71, %select_n3A_60 : i32
        %eq3A_74 = arith.constant 4 : i32
        %eq3A_75 = arith.cmpi eq, %select_n3A_73, %eq3A_74 : i32
        %select_n3A_76 = arith.constant 0 : i32
        %select_n3A_77 = arith.select %eq3A_75, %select_n3A_76, %select_n3A_73 : i32
        %add3A_78 = arith.constant 1 : i32
        %add3A_79 = arith.addi %select_n3A_66, %add3A_78 : i32
        %select_n3A_80 = arith.select %eq3A_75, %add3A_79, %select_n3A_66 : i32
        %eq3A_81 = arith.cmpi eq, %select_n3A_80, %select_n3A : i32
        %select_n3A_82 = arith.constant 0 : i32
        %select_n3A_83 = arith.select %eq3A_81, %select_n3A_82, %select_n3A_80 : i32
        %add3A_84 = arith.addi %select_n3A_83, %select_n3A_14 : i32
        %add3A_85 = arith.constant 0 : i32
        %add3A_86 = arith.addi %select_n3A_77, %add3A_85 : i32
        "tpu.trace_start"() <{level = 10 : i32, message = "ep_initialize_0"}> : () -> ()
        %rem3A = arith.constant 0 : i32
        %rem3A_87 = arith.constant 2 : i32
        %rem3A_88 = arith.remui %rem3A, %rem3A_87 : i32
        %mul3A_89 = arith.constant 8 : i32
        %mul3A_90 = arith.muli %add3A_33, %mul3A_89 : i32
        %jit3A_91 = arith.constant 1000 : i32
        %div3A = arith.divsi %mul3A_90, %jit3A_91 : i32
        %sign3A = arith.constant 0 : i32
        %sign3A_92 = arith.cmpi sgt, %mul3A_90, %sign3A : i32
        %sign3A_93 = arith.extui %sign3A_92 : i1 to i32
        %sign3A_94 = arith.constant 0 : i32
        %sign3A_95 = arith.cmpi slt, %mul3A_90, %sign3A_94 : i32
        %sign3A_96 = arith.extui %sign3A_95 : i1 to i32
        %sign3A_97 = arith.subi %sign3A_93, %sign3A_96 : i32
        %sign3A_98 = arith.constant 0 : i32
        %sign3A_99 = arith.cmpi sgt, %jit3A_91, %sign3A_98 : i32
        %sign3A_100 = arith.extui %sign3A_99 : i1 to i32
        %sign3A_101 = arith.constant 0 : i32
        %sign3A_102 = arith.cmpi slt, %jit3A_91, %sign3A_101 : i32
        %sign3A_103 = arith.extui %sign3A_102 : i1 to i32
        %sign3A_104 = arith.subi %sign3A_100, %sign3A_103 : i32
        %ne3A = arith.cmpi ne, %sign3A_97, %sign3A_104 : i32
        %rem3A_105 = arith.remsi %mul3A_90, %jit3A_91 : i32
        %ne3A_106 = arith.constant 0 : i32
        %ne3A_107 = arith.cmpi ne, %rem3A_105, %ne3A_106 : i32
        %and3A = arith.andi %ne3A, %ne3A_107 : i1
        %sub3A_108 = arith.constant 1 : i32
        %sub3A_109 = arith.subi %div3A, %sub3A_108 : i32
        %select_n3A_110 = arith.select %and3A, %sub3A_109, %div3A : i32
        %mul3A_111 = arith.constant 1 : i32
        %mul3A_112 = arith.muli %mul3A_111, %select_n3A_110 : i32
        %dma_start3A = arith.constant 0 : i32
        %dma_start3A_113 = arith.constant 0 : i32
        %dma_start3A_114 = tpu.memref_slice %run_scoped3A[%rem3A_88, %dma_start3A, %dma_start3A_113] : memref<2x1x1024xi32, #tpu.memory_space<vmem>> -> memref<1x1x1024xi32, #tpu.memory_space<vmem>>
        %dma_start3A_115 = tpu.memref_squeeze %dma_start3A_114 : memref<1x1x1024xi32, #tpu.memory_space<vmem>> -> memref<1x1024xi32, #tpu.memory_space<vmem>>
        %dma_start3A_116 = arith.constant 0 : i32
        %dma_start3A_117 = tpu.memref_slice %arg2[%mul3A_112, %dma_start3A_116] : memref<26x4096xi32, #tpu.memory_space<hbm>> -> memref<1x1024xi32, #tpu.memory_space<hbm>>
        %dma_start3A_118 = tpu.memref_slice %run_scoped3A_19[%rem3A_88] : memref<2x!tpu.dma_semaphore, #tpu.memory_space<semaphore_mem>> -> memref<1x!tpu.dma_semaphore, #tpu.memory_space<semaphore_mem>>
        %dma_start3A_119 = tpu.memref_squeeze %dma_start3A_118 : memref<1x!tpu.dma_semaphore, #tpu.memory_space<semaphore_mem>> -> memref<!tpu.dma_semaphore, #tpu.memory_space<semaphore_mem>>
        %dma_start3A_120 = arith.constant 0 : i32
        %dma_start3A_121 = arith.constant 0 : i32
        %dma_start3A_122 = tpu.memref_slice %run_scoped3A[%rem3A_88, %dma_start3A_120, %dma_start3A_121] : memref<2x1x1024xi32, #tpu.memory_space<vmem>> -> memref<1x1x1024xi32, #tpu.memory_space<vmem>>
        %dma_start3A_123 = tpu.memref_squeeze %dma_start3A_122 : memref<1x1x1024xi32, #tpu.memory_space<vmem>> -> memref<1x1024xi32, #tpu.memory_space<vmem>>
        %dma_start3A_124 = arith.constant 0 : i32
        %dma_start3A_125 = tpu.memref_slice %arg2[%mul3A_112, %dma_start3A_124] : memref<26x4096xi32, #tpu.memory_space<hbm>> -> memref<1x1024xi32, #tpu.memory_space<hbm>>
        tpu.enqueue_dma source(%dma_start3A_125 : memref<1x1024xi32, #tpu.memory_space<hbm>>) target(%dma_start3A_123 : memref<1x1024xi32, #tpu.memory_space<vmem>>) target_semaphore(%dma_start3A_119 : memref<!tpu.dma_semaphore, #tpu.memory_space<semaphore_mem>>)
        %add3A_126 = arith.constant 0 : i32
        %add3A_127 = arith.constant 1 : i32
        %add3A_128 = arith.addi %add3A_126, %add3A_127 : i32
        %select_n3A_129 = arith.constant true
        %select_n3A_130 = arith.constant 0 : i32
        %select_n3A_131 = arith.select %select_n3A_129, %add3A_128, %select_n3A_130 : i32
        %rem3A_132 = arith.constant 0 : i32
        %rem3A_133 = arith.constant 2 : i32
        %rem3A_134 = arith.remui %rem3A_132, %rem3A_133 : i32
        %mul3A_135 = arith.constant 8 : i32
        %mul3A_136 = arith.muli %mul3A_135, %add3A_33 : i32
        %dma_start3A_137 = arith.constant 0 : i32
        %dma_start3A_138 = arith.constant 0 : i32
        %dma_start3A_139 = tpu.memref_slice %run_scoped3A_20[%rem3A_134, %dma_start3A_137, %dma_start3A_138] : memref<2x8x1xi32, #tpu.memory_space<vmem>> -> memref<1x8x1xi32, #tpu.memory_space<vmem>>
        %dma_start3A_140 = tpu.memref_squeeze %dma_start3A_139 : memref<1x8x1xi32, #tpu.memory_space<vmem>> -> memref<8x1xi32, #tpu.memory_space<vmem>>
        %dma_start3A_141 = arith.constant 0 : i32
        %dma_start3A_142 = tpu.memref_slice %arg3[%mul3A_136, %dma_start3A_141] : memref<26000x1xi32, #tpu.memory_space<hbm>> -> memref<8x1xi32, #tpu.memory_space<hbm>>
        %dma_start3A_143 = tpu.memref_slice %run_scoped3A_21[%rem3A_134] : memref<2x!tpu.dma_semaphore, #tpu.memory_space<semaphore_mem>> -> memref<1x!tpu.dma_semaphore, #tpu.memory_space<semaphore_mem>>
        %dma_start3A_144 = tpu.memref_squeeze %dma_start3A_143 : memref<1x!tpu.dma_semaphore, #tpu.memory_space<semaphore_mem>> -> memref<!tpu.dma_semaphore, #tpu.memory_space<semaphore_mem>>
        %dma_start3A_145 = arith.constant 0 : i32
        %dma_start3A_146 = arith.constant 0 : i32
        %dma_start3A_147 = tpu.memref_slice %run_scoped3A_20[%rem3A_134, %dma_start3A_145, %dma_start3A_146] : memref<2x8x1xi32, #tpu.memory_space<vmem>> -> memref<1x8x1xi32, #tpu.memory_space<vmem>>
        %dma_start3A_148 = tpu.memref_squeeze %dma_start3A_147 : memref<1x8x1xi32, #tpu.memory_space<vmem>> -> memref<8x1xi32, #tpu.memory_space<vmem>>
        %dma_start3A_149 = arith.constant 0 : i32
        %dma_start3A_150 = tpu.memref_slice %arg3[%mul3A_136, %dma_start3A_149] : memref<26000x1xi32, #tpu.memory_space<hbm>> -> memref<8x1xi32, #tpu.memory_space<hbm>>
        tpu.enqueue_dma source(%dma_start3A_150 : memref<8x1xi32, #tpu.memory_space<hbm>>) target(%dma_start3A_148 : memref<8x1xi32, #tpu.memory_space<vmem>>) target_semaphore(%dma_start3A_144 : memref<!tpu.dma_semaphore, #tpu.memory_space<semaphore_mem>>)
        %add3A_151 = arith.constant 0 : i32
        %add3A_152 = arith.constant 1 : i32
        %add3A_153 = arith.addi %add3A_151, %add3A_152 : i32
        %select_n3A_154 = arith.constant true
        %select_n3A_155 = arith.constant 0 : i32
        %select_n3A_156 = arith.select %select_n3A_154, %add3A_153, %select_n3A_155 : i32
        %while3A = arith.constant 0 : i32
        %while3A_157 = arith.constant 0 : i32
        %while3A_158 = arith.constant 0 : i32
        %while3A_159 = arith.constant 0 : i32
        %while3A_160 = arith.constant 0 : i32
        %while3A_161 = arith.constant 0 : i32
        %while3A_162 = arith.constant 0 : i32
        "tpu.trace_stop"() : () -> ()
        %while3A_163 = arith.subi %mul3A_18, %while3A : i32
        %while3A_164 = arith.addi %while3A, %while3A_163 : i32
        %while3A_165 = arith.constant 1 : i32
        %while3A_166 = arith.divsi %while3A_163, %while3A_165 : i32
        %while3A_167 = arith.muli %while3A_166, %while3A_165 : i32
        %while3A_168 = arith.addi %while3A, %while3A_167 : i32
        %while3A_169 = arith.constant 1 : i32
        %while3A_170:8 = scf.for %while3A_265 = %while3A to %while3A_168 step %while3A_169 iter_args(%while3A_266 = %select_n3A_131, %while3A_267 = %while3A_157, %while3A_268 = %select_n3A_156, %while3A_269 = %while3A_158, %while3A_270 = %while3A_159, %while3A_271 = %while3A_160, %while3A_272 = %while3A_161, %while3A_273 = %while3A_162) -> (i32, i32, i32, i32, i32, i32, i32, i32)  : i32 {
          %mul3A_274 = arith.constant 1 : i32
          %mul3A_275 = arith.muli %mul3A_274, %select_n3A : i32
          %mul3A_276 = arith.constant 4 : i32
          %mul3A_277 = arith.muli %mul3A_275, %mul3A_276 : i32
          %eq3A_278 = arith.constant 0 : i32
          %eq3A_279 = arith.cmpi eq, %while3A_265, %eq3A_278 : i32
          %sub3A_280 = arith.constant 1 : i32
          %sub3A_281 = arith.subi %mul3A_277, %sub3A_280 : i32
          %eq3A_282 = arith.cmpi eq, %while3A_265, %sub3A_281 : i32
          %add3A_283 = arith.addi %while3A_272, %select_n3A_14 : i32
          %add3A_284 = arith.constant 0 : i32
          %add3A_285 = arith.addi %while3A_273, %add3A_284 : i32
          %sub3A_286 = arith.constant 1 : i32
          %sub3A_287 = arith.subi %while3A_273, %sub3A_286 : i32
          %select_n3A_288 = arith.constant true
          %select_n3A_289 = arith.select %select_n3A_288, %sub3A_287, %while3A_273 : i32
          %eq3A_290 = arith.constant -1 : i32
          %eq3A_291 = arith.cmpi eq, %select_n3A_289, %eq3A_290 : i32
          %select_n3A_292 = arith.constant 3 : i32
          %select_n3A_293 = arith.select %eq3A_291, %select_n3A_292, %select_n3A_289 : i32
          %sub3A_294 = arith.constant 1 : i32
          %sub3A_295 = arith.subi %while3A_272, %sub3A_294 : i32
          %select_n3A_296 = arith.select %eq3A_291, %sub3A_295, %while3A_272 : i32
          %eq3A_297 = arith.constant -1 : i32
          %eq3A_298 = arith.cmpi eq, %select_n3A_296, %eq3A_297 : i32
          %sub3A_299 = arith.constant 1 : i32
          %sub3A_300 = arith.subi %select_n3A, %sub3A_299 : i32
          %select_n3A_301 = arith.select %eq3A_298, %sub3A_300, %select_n3A_296 : i32
          %add3A_302 = arith.addi %select_n3A_301, %select_n3A_14 : i32
          %add3A_303 = arith.constant 0 : i32
          %add3A_304 = arith.addi %select_n3A_293, %add3A_303 : i32
          %add3A_305 = arith.constant 1 : i32
          %add3A_306 = arith.addi %while3A_273, %add3A_305 : i32
          %select_n3A_307 = arith.constant true
          %select_n3A_308 = arith.select %select_n3A_307, %add3A_306, %while3A_273 : i32
          %eq3A_309 = arith.constant 4 : i32
          %eq3A_310 = arith.cmpi eq, %select_n3A_308, %eq3A_309 : i32
          %select_n3A_311 = arith.constant 0 : i32
          %select_n3A_312 = arith.select %eq3A_310, %select_n3A_311, %select_n3A_308 : i32
          %add3A_313 = arith.constant 1 : i32
          %add3A_314 = arith.addi %while3A_272, %add3A_313 : i32
          %select_n3A_315 = arith.select %eq3A_310, %add3A_314, %while3A_272 : i32
          %eq3A_316 = arith.cmpi eq, %select_n3A_315, %select_n3A : i32
          %select_n3A_317 = arith.constant 0 : i32
          %select_n3A_318 = arith.select %eq3A_316, %select_n3A_317, %select_n3A_315 : i32
          %add3A_319 = arith.addi %select_n3A_318, %select_n3A_14 : i32
          %add3A_320 = arith.constant 0 : i32
          %add3A_321 = arith.addi %select_n3A_312, %add3A_320 : i32
          %add3A_322 = arith.constant 1 : i32
          %add3A_323 = arith.addi %select_n3A_312, %add3A_322 : i32
          %select_n3A_324 = arith.constant true
          %select_n3A_325 = arith.select %select_n3A_324, %add3A_323, %select_n3A_312 : i32
          %eq3A_326 = arith.constant 4 : i32
          %eq3A_327 = arith.cmpi eq, %select_n3A_325, %eq3A_326 : i32
          %select_n3A_328 = arith.constant 0 : i32
          %select_n3A_329 = arith.select %eq3A_327, %select_n3A_328, %select_n3A_325 : i32
          %add3A_330 = arith.constant 1 : i32
          %add3A_331 = arith.addi %select_n3A_318, %add3A_330 : i32
          %select_n3A_332 = arith.select %eq3A_327, %add3A_331, %select_n3A_318 : i32
          %eq3A_333 = arith.cmpi eq, %select_n3A_332, %select_n3A : i32
          %select_n3A_334 = arith.constant 0 : i32
          %select_n3A_335 = arith.select %eq3A_333, %select_n3A_334, %select_n3A_332 : i32
          %add3A_336 = arith.addi %select_n3A_335, %select_n3A_14 : i32
          %add3A_337 = arith.constant 0 : i32
          %add3A_338 = arith.addi %select_n3A_329, %add3A_337 : i32
          %mul3A_339 = arith.constant 8 : i32
          %mul3A_340 = arith.muli %add3A_283, %mul3A_339 : i32
          %jit3A_341 = arith.constant 1000 : i32
          %div3A_342 = arith.divsi %mul3A_340, %jit3A_341 : i32
          %sign3A_343 = arith.constant 0 : i32
          %sign3A_344 = arith.cmpi sgt, %mul3A_340, %sign3A_343 : i32
          %sign3A_345 = arith.extui %sign3A_344 : i1 to i32
          %sign3A_346 = arith.constant 0 : i32
          %sign3A_347 = arith.cmpi slt, %mul3A_340, %sign3A_346 : i32
          %sign3A_348 = arith.extui %sign3A_347 : i1 to i32
          %sign3A_349 = arith.subi %sign3A_345, %sign3A_348 : i32
          %sign3A_350 = arith.constant 0 : i32
          %sign3A_351 = arith.cmpi sgt, %jit3A_341, %sign3A_350 : i32
          %sign3A_352 = arith.extui %sign3A_351 : i1 to i32
          %sign3A_353 = arith.constant 0 : i32
          %sign3A_354 = arith.cmpi slt, %jit3A_341, %sign3A_353 : i32
          %sign3A_355 = arith.extui %sign3A_354 : i1 to i32
          %sign3A_356 = arith.subi %sign3A_352, %sign3A_355 : i32
          %ne3A_357 = arith.cmpi ne, %sign3A_349, %sign3A_356 : i32
          %rem3A_358 = arith.remsi %mul3A_340, %jit3A_341 : i32
          %ne3A_359 = arith.constant 0 : i32
          %ne3A_360 = arith.cmpi ne, %rem3A_358, %ne3A_359 : i32
          %and3A_361 = arith.andi %ne3A_357, %ne3A_360 : i1
          %sub3A_362 = arith.constant 1 : i32
          %sub3A_363 = arith.subi %div3A_342, %sub3A_362 : i32
          %select_n3A_364 = arith.select %and3A_361, %sub3A_363, %div3A_342 : i32
          %mul3A_365 = arith.constant 8 : i32
          %mul3A_366 = arith.muli %add3A_319, %mul3A_365 : i32
          %jit3A_367 = arith.constant 1000 : i32
          %div3A_368 = arith.divsi %mul3A_366, %jit3A_367 : i32
          %sign3A_369 = arith.constant 0 : i32
          %sign3A_370 = arith.cmpi sgt, %mul3A_366, %sign3A_369 : i32
          %sign3A_371 = arith.extui %sign3A_370 : i1 to i32
          %sign3A_372 = arith.constant 0 : i32
          %sign3A_373 = arith.cmpi slt, %mul3A_366, %sign3A_372 : i32
          %sign3A_374 = arith.extui %sign3A_373 : i1 to i32
          %sign3A_375 = arith.subi %sign3A_371, %sign3A_374 : i32
          %sign3A_376 = arith.constant 0 : i32
          %sign3A_377 = arith.cmpi sgt, %jit3A_367, %sign3A_376 : i32
          %sign3A_378 = arith.extui %sign3A_377 : i1 to i32
          %sign3A_379 = arith.constant 0 : i32
          %sign3A_380 = arith.cmpi slt, %jit3A_367, %sign3A_379 : i32
          %sign3A_381 = arith.extui %sign3A_380 : i1 to i32
          %sign3A_382 = arith.subi %sign3A_378, %sign3A_381 : i32
          %ne3A_383 = arith.cmpi ne, %sign3A_375, %sign3A_382 : i32
          %rem3A_384 = arith.remsi %mul3A_366, %jit3A_367 : i32
          %ne3A_385 = arith.constant 0 : i32
          %ne3A_386 = arith.cmpi ne, %rem3A_384, %ne3A_385 : i32
          %and3A_387 = arith.andi %ne3A_383, %ne3A_386 : i1
          %sub3A_388 = arith.constant 1 : i32
          %sub3A_389 = arith.subi %div3A_368, %sub3A_388 : i32
          %select_n3A_390 = arith.select %and3A_387, %sub3A_389, %div3A_368 : i32
          %ne3A_391 = arith.cmpi ne, %select_n3A_364, %select_n3A_390 : i32
          %ne3A_392 = arith.cmpi ne, %add3A_285, %add3A_321 : i32
          %or3A = arith.constant false
          %or3A_393 = arith.ori %or3A, %ne3A_391 : i1
          %or3A_394 = arith.ori %or3A_393, %ne3A_392 : i1
          %sub3A_395 = arith.constant 2 : i32
          %sub3A_396 = arith.subi %mul3A_277, %sub3A_395 : i32
          %add3A_397 = arith.constant 1 : i32
          %add3A_398 = arith.addi %sub3A_396, %add3A_397 : i32
          %ge3A = arith.cmpi sge, %while3A_265, %add3A_398 : i32
          %not3A = arith.constant true
          %not3A_399 = arith.xori %ge3A, %not3A : i1
          %and3A_400 = arith.andi %or3A_394, %not3A_399 : i1
          %convert_element_type3A_401 = arith.extui %and3A_400 : i1 to i32
          %cond3A_402 = arith.constant 0 : i32
          %cond3A_403 = arith.cmpi ne, %convert_element_type3A_401, %cond3A_402 : i32
          scf.if %cond3A_403 {
            "tpu.trace_start"() <{level = 10 : i32, message = "ep_copy_in"}> : () -> ()
            %rem3A_798 = arith.constant 2 : i32
            %rem3A_799 = arith.remui %while3A_266, %rem3A_798 : i32
            %mul3A_800 = arith.constant 8 : i32
            %mul3A_801 = arith.muli %add3A_319, %mul3A_800 : i32
            %jit3A_802 = arith.constant 1000 : i32
            %div3A_803 = arith.divsi %mul3A_801, %jit3A_802 : i32
            %sign3A_804 = arith.constant 0 : i32
            %sign3A_805 = arith.cmpi sgt, %mul3A_801, %sign3A_804 : i32
            %sign3A_806 = arith.extui %sign3A_805 : i1 to i32
            %sign3A_807 = arith.constant 0 : i32
            %sign3A_808 = arith.cmpi slt, %mul3A_801, %sign3A_807 : i32
            %sign3A_809 = arith.extui %sign3A_808 : i1 to i32
            %sign3A_810 = arith.subi %sign3A_806, %sign3A_809 : i32
            %sign3A_811 = arith.constant 0 : i32
            %sign3A_812 = arith.cmpi sgt, %jit3A_802, %sign3A_811 : i32
            %sign3A_813 = arith.extui %sign3A_812 : i1 to i32
            %sign3A_814 = arith.constant 0 : i32
            %sign3A_815 = arith.cmpi slt, %jit3A_802, %sign3A_814 : i32
            %sign3A_816 = arith.extui %sign3A_815 : i1 to i32
            %sign3A_817 = arith.subi %sign3A_813, %sign3A_816 : i32
            %ne3A_818 = arith.cmpi ne, %sign3A_810, %sign3A_817 : i32
            %rem3A_819 = arith.remsi %mul3A_801, %jit3A_802 : i32
            %ne3A_820 = arith.constant 0 : i32
            %ne3A_821 = arith.cmpi ne, %rem3A_819, %ne3A_820 : i32
            %and3A_822 = arith.andi %ne3A_818, %ne3A_821 : i1
            %sub3A_823 = arith.constant 1 : i32
            %sub3A_824 = arith.subi %div3A_803, %sub3A_823 : i32
            %select_n3A_825 = arith.select %and3A_822, %sub3A_824, %div3A_803 : i32
            %mul3A_826 = arith.constant 1 : i32
            %mul3A_827 = arith.muli %mul3A_826, %select_n3A_825 : i32
            %mul3A_828 = arith.constant 1024 : i32
            %mul3A_829 = arith.muli %mul3A_828, %add3A_321 : i32
            %dma_start3A_830 = arith.constant 0 : i32
            %dma_start3A_831 = arith.constant 0 : i32
            %dma_start3A_832 = tpu.memref_slice %run_scoped3A[%rem3A_799, %dma_start3A_830, %dma_start3A_831] : memref<2x1x1024xi32, #tpu.memory_space<vmem>> -> memref<1x1x1024xi32, #tpu.memory_space<vmem>>
            %dma_start3A_833 = tpu.memref_squeeze %dma_start3A_832 : memref<1x1x1024xi32, #tpu.memory_space<vmem>> -> memref<1x1024xi32, #tpu.memory_space<vmem>>
            %dma_start3A_834 = tpu.memref_slice %arg2[%mul3A_827, %mul3A_829] : memref<26x4096xi32, #tpu.memory_space<hbm>> -> memref<1x1024xi32, #tpu.memory_space<hbm>>
            %dma_start3A_835 = tpu.memref_slice %run_scoped3A_19[%rem3A_799] : memref<2x!tpu.dma_semaphore, #tpu.memory_space<semaphore_mem>> -> memref<1x!tpu.dma_semaphore, #tpu.memory_space<semaphore_mem>>
            %dma_start3A_836 = tpu.memref_squeeze %dma_start3A_835 : memref<1x!tpu.dma_semaphore, #tpu.memory_space<semaphore_mem>> -> memref<!tpu.dma_semaphore, #tpu.memory_space<semaphore_mem>>
            %dma_start3A_837 = arith.constant 0 : i32
            %dma_start3A_838 = arith.constant 0 : i32
            %dma_start3A_839 = tpu.memref_slice %run_scoped3A[%rem3A_799, %dma_start3A_837, %dma_start3A_838] : memref<2x1x1024xi32, #tpu.memory_space<vmem>> -> memref<1x1x1024xi32, #tpu.memory_space<vmem>>
            %dma_start3A_840 = tpu.memref_squeeze %dma_start3A_839 : memref<1x1x1024xi32, #tpu.memory_space<vmem>> -> memref<1x1024xi32, #tpu.memory_space<vmem>>
            %dma_start3A_841 = tpu.memref_slice %arg2[%mul3A_827, %mul3A_829] : memref<26x4096xi32, #tpu.memory_space<hbm>> -> memref<1x1024xi32, #tpu.memory_space<hbm>>
            tpu.enqueue_dma source(%dma_start3A_841 : memref<1x1024xi32, #tpu.memory_space<hbm>>) target(%dma_start3A_840 : memref<1x1024xi32, #tpu.memory_space<vmem>>) target_semaphore(%dma_start3A_836 : memref<!tpu.dma_semaphore, #tpu.memory_space<semaphore_mem>>)
            "tpu.trace_stop"() : () -> ()
          } else {
          }
          %and3A_404 = arith.constant true
          %and3A_405 = arith.andi %and3A_400, %and3A_404 : i1
          %add3A_406 = arith.constant 1 : i32
          %add3A_407 = arith.addi %while3A_266, %add3A_406 : i32
          %select_n3A_408 = arith.select %and3A_405, %add3A_407, %while3A_266 : i32
          %ne3A_409 = arith.cmpi ne, %add3A_283, %add3A_319 : i32
          %or3A_410 = arith.constant false
          %or3A_411 = arith.ori %or3A_410, %ne3A_409 : i1
          %or3A_412 = arith.constant false
          %or3A_413 = arith.ori %or3A_411, %or3A_412 : i1
          %sub3A_414 = arith.constant 2 : i32
          %sub3A_415 = arith.subi %mul3A_277, %sub3A_414 : i32
          %add3A_416 = arith.constant 1 : i32
          %add3A_417 = arith.addi %sub3A_415, %add3A_416 : i32
          %ge3A_418 = arith.cmpi sge, %while3A_265, %add3A_417 : i32
          %not3A_419 = arith.constant true
          %not3A_420 = arith.xori %ge3A_418, %not3A_419 : i1
          %and3A_421 = arith.andi %or3A_413, %not3A_420 : i1
          %convert_element_type3A_422 = arith.extui %and3A_421 : i1 to i32
          %cond3A_423 = arith.constant 0 : i32
          %cond3A_424 = arith.cmpi ne, %convert_element_type3A_422, %cond3A_423 : i32
          scf.if %cond3A_424 {
            "tpu.trace_start"() <{level = 10 : i32, message = "ep_copy_in"}> : () -> ()
            %rem3A_798 = arith.constant 2 : i32
            %rem3A_799 = arith.remui %while3A_268, %rem3A_798 : i32
            %mul3A_800 = arith.constant 8 : i32
            %mul3A_801 = arith.muli %mul3A_800, %add3A_319 : i32
            %dma_start3A_802 = arith.constant 0 : i32
            %dma_start3A_803 = arith.constant 0 : i32
            %dma_start3A_804 = tpu.memref_slice %run_scoped3A_20[%rem3A_799, %dma_start3A_802, %dma_start3A_803] : memref<2x8x1xi32, #tpu.memory_space<vmem>> -> memref<1x8x1xi32, #tpu.memory_space<vmem>>
            %dma_start3A_805 = tpu.memref_squeeze %dma_start3A_804 : memref<1x8x1xi32, #tpu.memory_space<vmem>> -> memref<8x1xi32, #tpu.memory_space<vmem>>
            %dma_start3A_806 = arith.constant 0 : i32
            %dma_start3A_807 = tpu.memref_slice %arg3[%mul3A_801, %dma_start3A_806] : memref<26000x1xi32, #tpu.memory_space<hbm>> -> memref<8x1xi32, #tpu.memory_space<hbm>>
            %dma_start3A_808 = tpu.memref_slice %run_scoped3A_21[%rem3A_799] : memref<2x!tpu.dma_semaphore, #tpu.memory_space<semaphore_mem>> -> memref<1x!tpu.dma_semaphore, #tpu.memory_space<semaphore_mem>>
            %dma_start3A_809 = tpu.memref_squeeze %dma_start3A_808 : memref<1x!tpu.dma_semaphore, #tpu.memory_space<semaphore_mem>> -> memref<!tpu.dma_semaphore, #tpu.memory_space<semaphore_mem>>
            %dma_start3A_810 = arith.constant 0 : i32
            %dma_start3A_811 = arith.constant 0 : i32
            %dma_start3A_812 = tpu.memref_slice %run_scoped3A_20[%rem3A_799, %dma_start3A_810, %dma_start3A_811] : memref<2x8x1xi32, #tpu.memory_space<vmem>> -> memref<1x8x1xi32, #tpu.memory_space<vmem>>
            %dma_start3A_813 = tpu.memref_squeeze %dma_start3A_812 : memref<1x8x1xi32, #tpu.memory_space<vmem>> -> memref<8x1xi32, #tpu.memory_space<vmem>>
            %dma_start3A_814 = arith.constant 0 : i32
            %dma_start3A_815 = tpu.memref_slice %arg3[%mul3A_801, %dma_start3A_814] : memref<26000x1xi32, #tpu.memory_space<hbm>> -> memref<8x1xi32, #tpu.memory_space<hbm>>
            tpu.enqueue_dma source(%dma_start3A_815 : memref<8x1xi32, #tpu.memory_space<hbm>>) target(%dma_start3A_813 : memref<8x1xi32, #tpu.memory_space<vmem>>) target_semaphore(%dma_start3A_809 : memref<!tpu.dma_semaphore, #tpu.memory_space<semaphore_mem>>)
            "tpu.trace_stop"() : () -> ()
          } else {
          }
          %and3A_425 = arith.constant true
          %and3A_426 = arith.andi %and3A_421, %and3A_425 : i1
          %add3A_427 = arith.constant 1 : i32
          %add3A_428 = arith.addi %while3A_268, %add3A_427 : i32
          %select_n3A_429 = arith.select %and3A_426, %add3A_428, %while3A_268 : i32
          %ne3A_430 = arith.cmpi ne, %add3A_283, %add3A_319 : i32
          %ne3A_431 = arith.cmpi ne, %add3A_285, %add3A_321 : i32
          %or3A_432 = arith.constant false
          %or3A_433 = arith.ori %or3A_432, %ne3A_430 : i1
          %or3A_434 = arith.ori %or3A_433, %ne3A_431 : i1
          %sub3A_435 = arith.constant 2 : i32
          %sub3A_436 = arith.subi %mul3A_277, %sub3A_435 : i32
          %add3A_437 = arith.constant 1 : i32
          %add3A_438 = arith.addi %sub3A_436, %add3A_437 : i32
          %ge3A_439 = arith.cmpi sge, %while3A_265, %add3A_438 : i32
          %not3A_440 = arith.constant true
          %not3A_441 = arith.xori %ge3A_439, %not3A_440 : i1
          %and3A_442 = arith.andi %or3A_434, %not3A_441 : i1
          %mul3A_443 = arith.constant 8 : i32
          %mul3A_444 = arith.muli %add3A_283, %mul3A_443 : i32
          %jit3A_445 = arith.constant 1000 : i32
          %div3A_446 = arith.divsi %mul3A_444, %jit3A_445 : i32
          %sign3A_447 = arith.constant 0 : i32
          %sign3A_448 = arith.cmpi sgt, %mul3A_444, %sign3A_447 : i32
          %sign3A_449 = arith.extui %sign3A_448 : i1 to i32
          %sign3A_450 = arith.constant 0 : i32
          %sign3A_451 = arith.cmpi slt, %mul3A_444, %sign3A_450 : i32
          %sign3A_452 = arith.extui %sign3A_451 : i1 to i32
          %sign3A_453 = arith.subi %sign3A_449, %sign3A_452 : i32
          %sign3A_454 = arith.constant 0 : i32
          %sign3A_455 = arith.cmpi sgt, %jit3A_445, %sign3A_454 : i32
          %sign3A_456 = arith.extui %sign3A_455 : i1 to i32
          %sign3A_457 = arith.constant 0 : i32
          %sign3A_458 = arith.cmpi slt, %jit3A_445, %sign3A_457 : i32
          %sign3A_459 = arith.extui %sign3A_458 : i1 to i32
          %sign3A_460 = arith.subi %sign3A_456, %sign3A_459 : i32
          %ne3A_461 = arith.cmpi ne, %sign3A_453, %sign3A_460 : i32
          %rem3A_462 = arith.remsi %mul3A_444, %jit3A_445 : i32
          %ne3A_463 = arith.constant 0 : i32
          %ne3A_464 = arith.cmpi ne, %rem3A_462, %ne3A_463 : i32
          %and3A_465 = arith.andi %ne3A_461, %ne3A_464 : i1
          %sub3A_466 = arith.constant 1 : i32
          %sub3A_467 = arith.subi %div3A_446, %sub3A_466 : i32
          %select_n3A_468 = arith.select %and3A_465, %sub3A_467, %div3A_446 : i32
          %mul3A_469 = arith.constant 8 : i32
          %mul3A_470 = arith.muli %add3A_302, %mul3A_469 : i32
          %jit3A_471 = arith.constant 1000 : i32
          %div3A_472 = arith.divsi %mul3A_470, %jit3A_471 : i32
          %sign3A_473 = arith.constant 0 : i32
          %sign3A_474 = arith.cmpi sgt, %mul3A_470, %sign3A_473 : i32
          %sign3A_475 = arith.extui %sign3A_474 : i1 to i32
          %sign3A_476 = arith.constant 0 : i32
          %sign3A_477 = arith.cmpi slt, %mul3A_470, %sign3A_476 : i32
          %sign3A_478 = arith.extui %sign3A_477 : i1 to i32
          %sign3A_479 = arith.subi %sign3A_475, %sign3A_478 : i32
          %sign3A_480 = arith.constant 0 : i32
          %sign3A_481 = arith.cmpi sgt, %jit3A_471, %sign3A_480 : i32
          %sign3A_482 = arith.extui %sign3A_481 : i1 to i32
          %sign3A_483 = arith.constant 0 : i32
          %sign3A_484 = arith.cmpi slt, %jit3A_471, %sign3A_483 : i32
          %sign3A_485 = arith.extui %sign3A_484 : i1 to i32
          %sign3A_486 = arith.subi %sign3A_482, %sign3A_485 : i32
          %ne3A_487 = arith.cmpi ne, %sign3A_479, %sign3A_486 : i32
          %rem3A_488 = arith.remsi %mul3A_470, %jit3A_471 : i32
          %ne3A_489 = arith.constant 0 : i32
          %ne3A_490 = arith.cmpi ne, %rem3A_488, %ne3A_489 : i32
          %and3A_491 = arith.andi %ne3A_487, %ne3A_490 : i1
          %sub3A_492 = arith.constant 1 : i32
          %sub3A_493 = arith.subi %div3A_472, %sub3A_492 : i32
          %select_n3A_494 = arith.select %and3A_491, %sub3A_493, %div3A_472 : i32
          %ne3A_495 = arith.cmpi ne, %select_n3A_468, %select_n3A_494 : i32
          %ne3A_496 = arith.cmpi ne, %add3A_285, %add3A_304 : i32
          %or3A_497 = arith.constant false
          %or3A_498 = arith.ori %or3A_497, %ne3A_495 : i1
          %or3A_499 = arith.ori %or3A_498, %ne3A_496 : i1
          %or3A_500 = arith.ori %or3A_499, %eq3A_279 : i1
          %convert_element_type3A_501 = arith.extui %or3A_500 : i1 to i32
          %cond3A_502 = arith.constant 0 : i32
          %cond3A_503 = arith.cmpi ne, %convert_element_type3A_501, %cond3A_502 : i32
          scf.if %cond3A_503 {
            "tpu.trace_start"() <{level = 10 : i32, message = "ep_wait_in"}> : () -> ()
            %mul3A_798 = arith.constant 8 : i32
            %mul3A_799 = arith.muli %add3A_283, %mul3A_798 : i32
            %jit3A_800 = arith.constant 1000 : i32
            %div3A_801 = arith.divsi %mul3A_799, %jit3A_800 : i32
            %sign3A_802 = arith.constant 0 : i32
            %sign3A_803 = arith.cmpi sgt, %mul3A_799, %sign3A_802 : i32
            %sign3A_804 = arith.extui %sign3A_803 : i1 to i32
            %sign3A_805 = arith.constant 0 : i32
            %sign3A_806 = arith.cmpi slt, %mul3A_799, %sign3A_805 : i32
            %sign3A_807 = arith.extui %sign3A_806 : i1 to i32
            %sign3A_808 = arith.subi %sign3A_804, %sign3A_807 : i32
            %sign3A_809 = arith.constant 0 : i32
            %sign3A_810 = arith.cmpi sgt, %jit3A_800, %sign3A_809 : i32
            %sign3A_811 = arith.extui %sign3A_810 : i1 to i32
            %sign3A_812 = arith.constant 0 : i32
            %sign3A_813 = arith.cmpi slt, %jit3A_800, %sign3A_812 : i32
            %sign3A_814 = arith.extui %sign3A_813 : i1 to i32
            %sign3A_815 = arith.subi %sign3A_811, %sign3A_814 : i32
            %ne3A_816 = arith.cmpi ne, %sign3A_808, %sign3A_815 : i32
            %rem3A_817 = arith.remsi %mul3A_799, %jit3A_800 : i32
            %ne3A_818 = arith.constant 0 : i32
            %ne3A_819 = arith.cmpi ne, %rem3A_817, %ne3A_818 : i32
            %and3A_820 = arith.andi %ne3A_816, %ne3A_819 : i1
            %sub3A_821 = arith.constant 1 : i32
            %sub3A_822 = arith.subi %div3A_801, %sub3A_821 : i32
            %select_n3A_823 = arith.select %and3A_820, %sub3A_822, %div3A_801 : i32
            %mul3A_824 = arith.constant 1 : i32
            %mul3A_825 = arith.muli %mul3A_824, %select_n3A_823 : i32
            %mul3A_826 = arith.constant 1024 : i32
            %mul3A_827 = arith.muli %mul3A_826, %add3A_285 : i32
            %rem3A_828 = arith.constant 2 : i32
            %rem3A_829 = arith.remui %while3A_267, %rem3A_828 : i32
            %dma_wait3A = arith.constant 0 : i32
            %dma_wait3A_830 = arith.constant 0 : i32
            %dma_wait3A_831 = tpu.memref_slice %run_scoped3A[%rem3A_829, %dma_wait3A, %dma_wait3A_830] : memref<2x1x1024xi32, #tpu.memory_space<vmem>> -> memref<1x1x1024xi32, #tpu.memory_space<vmem>>
            %dma_wait3A_832 = tpu.memref_squeeze %dma_wait3A_831 : memref<1x1x1024xi32, #tpu.memory_space<vmem>> -> memref<1x1024xi32, #tpu.memory_space<vmem>>
            %dma_wait3A_833 = tpu.memref_slice %arg2[%mul3A_825, %mul3A_827] : memref<26x4096xi32, #tpu.memory_space<hbm>> -> memref<1x1024xi32, #tpu.memory_space<hbm>>
            %dma_wait3A_834 = tpu.memref_slice %run_scoped3A_19[%rem3A_829] : memref<2x!tpu.dma_semaphore, #tpu.memory_space<semaphore_mem>> -> memref<1x!tpu.dma_semaphore, #tpu.memory_space<semaphore_mem>>
            %dma_wait3A_835 = tpu.memref_squeeze %dma_wait3A_834 : memref<1x!tpu.dma_semaphore, #tpu.memory_space<semaphore_mem>> -> memref<!tpu.dma_semaphore, #tpu.memory_space<semaphore_mem>>
            %dma_wait3A_836 = arith.constant 0 : i32
            %dma_wait3A_837 = arith.constant 0 : i32
            %dma_wait3A_838 = tpu.memref_slice %run_scoped3A[%rem3A_829, %dma_wait3A_836, %dma_wait3A_837] : memref<2x1x1024xi32, #tpu.memory_space<vmem>> -> memref<1x1x1024xi32, #tpu.memory_space<vmem>>
            %dma_wait3A_839 = tpu.memref_squeeze %dma_wait3A_838 : memref<1x1x1024xi32, #tpu.memory_space<vmem>> -> memref<1x1024xi32, #tpu.memory_space<vmem>>
            %dma_wait3A_840 = tpu.memref_slice %arg2[%mul3A_825, %mul3A_827] : memref<26x4096xi32, #tpu.memory_space<hbm>> -> memref<1x1024xi32, #tpu.memory_space<hbm>>
            tpu.wait_dma2 semaphore(%dma_wait3A_835 : memref<!tpu.dma_semaphore, #tpu.memory_space<semaphore_mem>>) src(%dma_wait3A_840 : memref<1x1024xi32, #tpu.memory_space<hbm>>) dst(%dma_wait3A_839 : memref<1x1024xi32, #tpu.memory_space<vmem>>)
            "tpu.trace_stop"() : () -> ()
          } else {
          }
          %ne3A_504 = arith.cmpi ne, %add3A_283, %add3A_302 : i32
          %or3A_505 = arith.constant false
          %or3A_506 = arith.ori %or3A_505, %ne3A_504 : i1
          %or3A_507 = arith.constant false
          %or3A_508 = arith.ori %or3A_506, %or3A_507 : i1
          %or3A_509 = arith.ori %or3A_508, %eq3A_279 : i1
          %convert_element_type3A_510 = arith.extui %or3A_509 : i1 to i32
          %cond3A_511 = arith.constant 0 : i32
          %cond3A_512 = arith.cmpi ne, %convert_element_type3A_510, %cond3A_511 : i32
          scf.if %cond3A_512 {
            "tpu.trace_start"() <{level = 10 : i32, message = "ep_wait_in"}> : () -> ()
            %mul3A_798 = arith.constant 8 : i32
            %mul3A_799 = arith.muli %mul3A_798, %add3A_283 : i32
            %rem3A_800 = arith.constant 2 : i32
            %rem3A_801 = arith.remui %while3A_269, %rem3A_800 : i32
            %dma_wait3A = arith.constant 0 : i32
            %dma_wait3A_802 = arith.constant 0 : i32
            %dma_wait3A_803 = tpu.memref_slice %run_scoped3A_20[%rem3A_801, %dma_wait3A, %dma_wait3A_802] : memref<2x8x1xi32, #tpu.memory_space<vmem>> -> memref<1x8x1xi32, #tpu.memory_space<vmem>>
            %dma_wait3A_804 = tpu.memref_squeeze %dma_wait3A_803 : memref<1x8x1xi32, #tpu.memory_space<vmem>> -> memref<8x1xi32, #tpu.memory_space<vmem>>
            %dma_wait3A_805 = arith.constant 0 : i32
            %dma_wait3A_806 = tpu.memref_slice %arg3[%mul3A_799, %dma_wait3A_805] : memref<26000x1xi32, #tpu.memory_space<hbm>> -> memref<8x1xi32, #tpu.memory_space<hbm>>
            %dma_wait3A_807 = tpu.memref_slice %run_scoped3A_21[%rem3A_801] : memref<2x!tpu.dma_semaphore, #tpu.memory_space<semaphore_mem>> -> memref<1x!tpu.dma_semaphore, #tpu.memory_space<semaphore_mem>>
            %dma_wait3A_808 = tpu.memref_squeeze %dma_wait3A_807 : memref<1x!tpu.dma_semaphore, #tpu.memory_space<semaphore_mem>> -> memref<!tpu.dma_semaphore, #tpu.memory_space<semaphore_mem>>
            %dma_wait3A_809 = arith.constant 0 : i32
            %dma_wait3A_810 = arith.constant 0 : i32
            %dma_wait3A_811 = tpu.memref_slice %run_scoped3A_20[%rem3A_801, %dma_wait3A_809, %dma_wait3A_810] : memref<2x8x1xi32, #tpu.memory_space<vmem>> -> memref<1x8x1xi32, #tpu.memory_space<vmem>>
            %dma_wait3A_812 = tpu.memref_squeeze %dma_wait3A_811 : memref<1x8x1xi32, #tpu.memory_space<vmem>> -> memref<8x1xi32, #tpu.memory_space<vmem>>
            %dma_wait3A_813 = arith.constant 0 : i32
            %dma_wait3A_814 = tpu.memref_slice %arg3[%mul3A_799, %dma_wait3A_813] : memref<26000x1xi32, #tpu.memory_space<hbm>> -> memref<8x1xi32, #tpu.memory_space<hbm>>
            tpu.wait_dma2 semaphore(%dma_wait3A_808 : memref<!tpu.dma_semaphore, #tpu.memory_space<semaphore_mem>>) src(%dma_wait3A_814 : memref<8x1xi32, #tpu.memory_space<hbm>>) dst(%dma_wait3A_812 : memref<8x1xi32, #tpu.memory_space<vmem>>)
            "tpu.trace_stop"() : () -> ()
          } else {
          }
          %ne3A_513 = arith.cmpi ne, %add3A_283, %add3A_302 : i32
          %ne3A_514 = arith.cmpi ne, %add3A_285, %add3A_304 : i32
          %or3A_515 = arith.constant false
          %or3A_516 = arith.ori %or3A_515, %ne3A_513 : i1
          %or3A_517 = arith.ori %or3A_516, %ne3A_514 : i1
          %or3A_518 = arith.ori %or3A_517, %eq3A_279 : i1
          %convert_element_type3A_519 = arith.extui %or3A_518 : i1 to i32
          %cond3A_520 = arith.constant 0 : i32
          %cond3A_521 = arith.cmpi ne, %convert_element_type3A_519, %cond3A_520 : i32
          scf.if %cond3A_521 {
          } else {
          }
          %rem3A_522 = arith.constant 2 : i32
          %rem3A_523 = arith.remui %while3A_267, %rem3A_522 : i32
          %rem3A_524 = arith.constant 2 : i32
          %rem3A_525 = arith.remui %while3A_269, %rem3A_524 : i32
          %rem3A_526 = arith.constant 2 : i32
          %rem3A_527 = arith.remui %while3A_270, %rem3A_526 : i32
          "tpu.trace_start"() <{level = 10 : i32, message = "ep_run_kernel"}> : () -> ()
          %scan3A = arith.constant 0 : i32
          %scan3A_528 = arith.constant 8 : i32
          %scan3A_529 = arith.addi %scan3A, %scan3A_528 : i32
          %scan3A_530 = arith.constant 1 : i32
          scf.for %scan3A_798 = %scan3A to %scan3A_529 step %scan3A_530  : i32 {
            %mul3A_799 = arith.constant 1 : i32
            %mul3A_800 = arith.muli %scan3A_798, %mul3A_799 : i32
            %add3A_801 = arith.constant 0 : i32
            %add3A_802 = arith.addi %add3A_801, %mul3A_800 : i32
            %get3A = arith.constant 0 : i32
            %get3A_803 = arith.constant 0 : i32
            %get3A_804 = arith.constant 0 : i32
            %get3A_805 = tpu.memref_slice %run_scoped3A_20[%rem3A_525, %get3A_803, %get3A_804] : memref<2x8x1xi32, #tpu.memory_space<vmem>> -> memref<1x8x1xi32, #tpu.memory_space<vmem>>
            %get3A_806 = tpu.memref_squeeze %get3A_805 : memref<1x8x1xi32, #tpu.memory_space<vmem>> -> memref<8x1xi32, #tpu.memory_space<vmem>>
            %get3A_807 = arith.index_cast %add3A_802 : i32 to index
            %get3A_808 = arith.index_cast %get3A : i32 to index
            %get3A_809 = tpu.vector_load %get3A_806[%get3A_807, %get3A_808] {strides = array<i32>} : memref<8x1xi32, #tpu.memory_space<vmem>>, vector<1x1xi32>,
            %get3A_810 = vector.shape_cast %get3A_809 : vector<1x1xi32> to vector<1xi32>
            %squeeze3A = vector.extract %get3A_810[0] : i32 from vector<1xi32>
            %scan3A_811 = arith.constant 0 : i32
            %scan3A_812 = arith.constant 64 : i32
            %scan3A_813 = arith.addi %scan3A_811, %scan3A_812 : i32
            %scan3A_814 = arith.constant 1 : i32
            scf.for %scan3A_816 = %scan3A_811 to %scan3A_813 step %scan3A_814  : i32 {
              %mul3A_817 = arith.constant 16 : i32
              %mul3A_818 = arith.muli %scan3A_816, %mul3A_817 : i32
              %add3A_819 = arith.constant 0 : i32
              %add3A_820 = arith.addi %add3A_819, %mul3A_818 : i32
              %get3A_821 = arith.constant 0 : i32
              %get3A_822 = arith.constant 0 : i32
              %get3A_823 = arith.constant 0 : i32
              %get3A_824 = tpu.memref_slice %run_scoped3A[%rem3A_523, %get3A_822, %get3A_823] : memref<2x1x1024xi32, #tpu.memory_space<vmem>> -> memref<1x1x1024xi32, #tpu.memory_space<vmem>>
              %get3A_825 = tpu.memref_squeeze %get3A_824 : memref<1x1x1024xi32, #tpu.memory_space<vmem>> -> memref<1x1024xi32, #tpu.memory_space<vmem>>
              %get3A_826 = arith.index_cast %get3A_821 : i32 to index
              %get3A_827 = arith.index_cast %add3A_820 : i32 to index
              %get3A_828 = tpu.vector_load %get3A_825[%get3A_826, %get3A_827] {strides = array<i32>} : memref<1x1024xi32, #tpu.memory_space<vmem>>, vector<1x16xi32>,
              %get3A_829 = vector.shape_cast %get3A_828 : vector<1x16xi32> to vector<16xi32>
              %eq3A_830 = vector.broadcast %squeeze3A : i32 to vector<16xi32>
              %eq3A_831 = arith.cmpi eq, %get3A_829, %eq3A_830 : vector<16xi32>
              %jit3A_832 = arith.constant 1.000000e+00 : f32
              %jit3A_833 = arith.constant 0.000000e+00 : f32
              %broadcast_in_dim3A = vector.broadcast %jit3A_832 : f32 to vector<16xf32>
              %broadcast_in_dim3A_834 = vector.broadcast %jit3A_833 : f32 to vector<16xf32>
              %select_n3A_835 = arith.select %eq3A_831, %broadcast_in_dim3A, %broadcast_in_dim3A_834 : vector<16xi1>, vector<16xf32>
              %swap3A = arith.constant 0 : i32
              %swap3A_836 = arith.constant 0 : i32
              %swap3A_837 = tpu.memref_slice %run_scoped3A_22[%rem3A_527, %swap3A, %swap3A_836] : memref<2x8x1024xf32, #tpu.memory_space<vmem>> -> memref<1x8x1024xf32, #tpu.memory_space<vmem>>
              %swap3A_838 = tpu.memref_squeeze %swap3A_837 : memref<1x8x1024xf32, #tpu.memory_space<vmem>> -> memref<8x1024xf32, #tpu.memory_space<vmem>>
              %swap3A_839 = arith.index_cast %add3A_802 : i32 to index
              %swap3A_840 = arith.index_cast %add3A_820 : i32 to index
              %swap3A_841 = tpu.vector_load %swap3A_838[%swap3A_839, %swap3A_840] {strides = array<i32>} : memref<8x1024xf32, #tpu.memory_space<vmem>>, vector<1x16xf32>,
              %swap3A_842 = vector.shape_cast %swap3A_841 : vector<1x16xf32> to vector<16xf32>
              %swap3A_843 = vector.shape_cast %select_n3A_835 : vector<16xf32> to vector<1x16xf32>
              tpu.vector_store %swap3A_838[%swap3A_839, %swap3A_840], %swap3A_843 {strides = array<i32>} : memref<8x1024xf32, #tpu.memory_space<vmem>>, vector<1x16xf32>,
            }
            %scan3A_815 = arith.constant 64 : i32
          }
          %scan3A_531 = arith.constant 8 : i32
          "tpu.trace_stop"() : () -> ()
          %mul3A_532 = arith.constant 8 : i32
          %mul3A_533 = arith.muli %add3A_283, %mul3A_532 : i32
          %jit3A_534 = arith.constant 1000 : i32
          %div3A_535 = arith.divsi %mul3A_533, %jit3A_534 : i32
          %sign3A_536 = arith.constant 0 : i32
          %sign3A_537 = arith.cmpi sgt, %mul3A_533, %sign3A_536 : i32
          %sign3A_538 = arith.extui %sign3A_537 : i1 to i32
          %sign3A_539 = arith.constant 0 : i32
          %sign3A_540 = arith.cmpi slt, %mul3A_533, %sign3A_539 : i32
          %sign3A_541 = arith.extui %sign3A_540 : i1 to i32
          %sign3A_542 = arith.subi %sign3A_538, %sign3A_541 : i32
          %sign3A_543 = arith.constant 0 : i32
          %sign3A_544 = arith.cmpi sgt, %jit3A_534, %sign3A_543 : i32
          %sign3A_545 = arith.extui %sign3A_544 : i1 to i32
          %sign3A_546 = arith.constant 0 : i32
          %sign3A_547 = arith.cmpi slt, %jit3A_534, %sign3A_546 : i32
          %sign3A_548 = arith.extui %sign3A_547 : i1 to i32
          %sign3A_549 = arith.subi %sign3A_545, %sign3A_548 : i32
          %ne3A_550 = arith.cmpi ne, %sign3A_542, %sign3A_549 : i32
          %rem3A_551 = arith.remsi %mul3A_533, %jit3A_534 : i32
          %ne3A_552 = arith.constant 0 : i32
          %ne3A_553 = arith.cmpi ne, %rem3A_551, %ne3A_552 : i32
          %and3A_554 = arith.andi %ne3A_550, %ne3A_553 : i1
          %sub3A_555 = arith.constant 1 : i32
          %sub3A_556 = arith.subi %div3A_535, %sub3A_555 : i32
          %select_n3A_557 = arith.select %and3A_554, %sub3A_556, %div3A_535 : i32
          %mul3A_558 = arith.constant 8 : i32
          %mul3A_559 = arith.muli %add3A_319, %mul3A_558 : i32
          %jit3A_560 = arith.constant 1000 : i32
          %div3A_561 = arith.divsi %mul3A_559, %jit3A_560 : i32
          %sign3A_562 = arith.constant 0 : i32
          %sign3A_563 = arith.cmpi sgt, %mul3A_559, %sign3A_562 : i32
          %sign3A_564 = arith.extui %sign3A_563 : i1 to i32
          %sign3A_565 = arith.constant 0 : i32
          %sign3A_566 = arith.cmpi slt, %mul3A_559, %sign3A_565 : i32
          %sign3A_567 = arith.extui %sign3A_566 : i1 to i32
          %sign3A_568 = arith.subi %sign3A_564, %sign3A_567 : i32
          %sign3A_569 = arith.constant 0 : i32
          %sign3A_570 = arith.cmpi sgt, %jit3A_560, %sign3A_569 : i32
          %sign3A_571 = arith.extui %sign3A_570 : i1 to i32
          %sign3A_572 = arith.constant 0 : i32
          %sign3A_573 = arith.cmpi slt, %jit3A_560, %sign3A_572 : i32
          %sign3A_574 = arith.extui %sign3A_573 : i1 to i32
          %sign3A_575 = arith.subi %sign3A_571, %sign3A_574 : i32
          %ne3A_576 = arith.cmpi ne, %sign3A_568, %sign3A_575 : i32
          %rem3A_577 = arith.remsi %mul3A_559, %jit3A_560 : i32
          %ne3A_578 = arith.constant 0 : i32
          %ne3A_579 = arith.cmpi ne, %rem3A_577, %ne3A_578 : i32
          %and3A_580 = arith.andi %ne3A_576, %ne3A_579 : i1
          %sub3A_581 = arith.constant 1 : i32
          %sub3A_582 = arith.subi %div3A_561, %sub3A_581 : i32
          %select_n3A_583 = arith.select %and3A_580, %sub3A_582, %div3A_561 : i32
          %ne3A_584 = arith.cmpi ne, %select_n3A_557, %select_n3A_583 : i32
          %ne3A_585 = arith.cmpi ne, %add3A_285, %add3A_321 : i32
          %or3A_586 = arith.constant false
          %or3A_587 = arith.ori %or3A_586, %ne3A_584 : i1
          %or3A_588 = arith.ori %or3A_587, %ne3A_585 : i1
          %or3A_589 = arith.ori %or3A_588, %eq3A_282 : i1
          %convert_element_type3A_590 = arith.extui %or3A_589 : i1 to i32
          %cond3A_591 = arith.constant 0 : i32
          %cond3A_592 = arith.cmpi ne, %convert_element_type3A_590, %cond3A_591 : i32
          scf.if %cond3A_592 {
          } else {
          }
          %and3A_593 = arith.constant false
          %and3A_594 = arith.andi %or3A_589, %and3A_593 : i1
          %ne3A_595 = arith.cmpi ne, %add3A_283, %add3A_319 : i32
          %or3A_596 = arith.constant false
          %or3A_597 = arith.ori %or3A_596, %ne3A_595 : i1
          %or3A_598 = arith.constant false
          %or3A_599 = arith.ori %or3A_597, %or3A_598 : i1
          %or3A_600 = arith.ori %or3A_599, %eq3A_282 : i1
          %convert_element_type3A_601 = arith.extui %or3A_600 : i1 to i32
          %cond3A_602 = arith.constant 0 : i32
          %cond3A_603 = arith.cmpi ne, %convert_element_type3A_601, %cond3A_602 : i32
          scf.if %cond3A_603 {
          } else {
          }
          %and3A_604 = arith.constant false
          %and3A_605 = arith.andi %or3A_600, %and3A_604 : i1
          %ne3A_606 = arith.cmpi ne, %add3A_283, %add3A_319 : i32
          %ne3A_607 = arith.cmpi ne, %add3A_285, %add3A_321 : i32
          %or3A_608 = arith.constant false
          %or3A_609 = arith.ori %or3A_608, %ne3A_606 : i1
          %or3A_610 = arith.ori %or3A_609, %ne3A_607 : i1
          %or3A_611 = arith.ori %or3A_610, %eq3A_282 : i1
          %convert_element_type3A_612 = arith.extui %or3A_611 : i1 to i32
          %cond3A_613 = arith.constant 0 : i32
          %cond3A_614 = arith.cmpi ne, %convert_element_type3A_612, %cond3A_613 : i32
          scf.if %cond3A_614 {
            "tpu.trace_start"() <{level = 10 : i32, message = "ep_copy_out"}> : () -> ()
            %rem3A_798 = arith.constant 2 : i32
            %rem3A_799 = arith.remui %while3A_270, %rem3A_798 : i32
            %mul3A_800 = arith.constant 8 : i32
            %mul3A_801 = arith.muli %mul3A_800, %add3A_283 : i32
            %mul3A_802 = arith.constant 1024 : i32
            %mul3A_803 = arith.muli %mul3A_802, %add3A_285 : i32
            %dma_start3A_804 = arith.constant 0 : i32
            %dma_start3A_805 = arith.constant 0 : i32
            %dma_start3A_806 = tpu.memref_slice %run_scoped3A_22[%rem3A_799, %dma_start3A_804, %dma_start3A_805] : memref<2x8x1024xf32, #tpu.memory_space<vmem>> -> memref<1x8x1024xf32, #tpu.memory_space<vmem>>
            %dma_start3A_807 = tpu.memref_squeeze %dma_start3A_806 : memref<1x8x1024xf32, #tpu.memory_space<vmem>> -> memref<8x1024xf32, #tpu.memory_space<vmem>>
            %dma_start3A_808 = tpu.memref_slice %arg4[%mul3A_801, %mul3A_803] : memref<26000x4096xf32, #tpu.memory_space<hbm>> -> memref<8x1024xf32, #tpu.memory_space<hbm>>
            %dma_start3A_809 = tpu.memref_slice %run_scoped3A_23[%rem3A_799] : memref<2x!tpu.dma_semaphore, #tpu.memory_space<semaphore_mem>> -> memref<1x!tpu.dma_semaphore, #tpu.memory_space<semaphore_mem>>
            %dma_start3A_810 = tpu.memref_squeeze %dma_start3A_809 : memref<1x!tpu.dma_semaphore, #tpu.memory_space<semaphore_mem>> -> memref<!tpu.dma_semaphore, #tpu.memory_space<semaphore_mem>>
            %dma_start3A_811 = tpu.memref_slice %arg4[%mul3A_801, %mul3A_803] : memref<26000x4096xf32, #tpu.memory_space<hbm>> -> memref<8x1024xf32, #tpu.memory_space<hbm>>
            %dma_start3A_812 = arith.constant 0 : i32
            %dma_start3A_813 = arith.constant 0 : i32
            %dma_start3A_814 = tpu.memref_slice %run_scoped3A_22[%rem3A_799, %dma_start3A_812, %dma_start3A_813] : memref<2x8x1024xf32, #tpu.memory_space<vmem>> -> memref<1x8x1024xf32, #tpu.memory_space<vmem>>
            %dma_start3A_815 = tpu.memref_squeeze %dma_start3A_814 : memref<1x8x1024xf32, #tpu.memory_space<vmem>> -> memref<8x1024xf32, #tpu.memory_space<vmem>>
            tpu.enqueue_dma source(%dma_start3A_815 : memref<8x1024xf32, #tpu.memory_space<vmem>>) target(%dma_start3A_811 : memref<8x1024xf32, #tpu.memory_space<hbm>>) target_semaphore(%dma_start3A_810 : memref<!tpu.dma_semaphore, #tpu.memory_space<semaphore_mem>>)
            "tpu.trace_stop"() : () -> ()
          } else {
          }
          %and3A_615 = arith.constant true
          %and3A_616 = arith.andi %or3A_611, %and3A_615 : i1
          %add3A_617 = arith.constant 1 : i32
          %add3A_618 = arith.addi %while3A_270, %add3A_617 : i32
          %select_n3A_619 = arith.select %and3A_616, %add3A_618, %while3A_270 : i32
          %mul3A_620 = arith.constant 8 : i32
          %mul3A_621 = arith.muli %add3A_283, %mul3A_620 : i32
          %jit3A_622 = arith.constant 1000 : i32
          %div3A_623 = arith.divsi %mul3A_621, %jit3A_622 : i32
          %sign3A_624 = arith.constant 0 : i32
          %sign3A_625 = arith.cmpi sgt, %mul3A_621, %sign3A_624 : i32
          %sign3A_626 = arith.extui %sign3A_625 : i1 to i32
          %sign3A_627 = arith.constant 0 : i32
          %sign3A_628 = arith.cmpi slt, %mul3A_621, %sign3A_627 : i32
          %sign3A_629 = arith.extui %sign3A_628 : i1 to i32
          %sign3A_630 = arith.subi %sign3A_626, %sign3A_629 : i32
          %sign3A_631 = arith.constant 0 : i32
          %sign3A_632 = arith.cmpi sgt, %jit3A_622, %sign3A_631 : i32
          %sign3A_633 = arith.extui %sign3A_632 : i1 to i32
          %sign3A_634 = arith.constant 0 : i32
          %sign3A_635 = arith.cmpi slt, %jit3A_622, %sign3A_634 : i32
          %sign3A_636 = arith.extui %sign3A_635 : i1 to i32
          %sign3A_637 = arith.subi %sign3A_633, %sign3A_636 : i32
          %ne3A_638 = arith.cmpi ne, %sign3A_630, %sign3A_637 : i32
          %rem3A_639 = arith.remsi %mul3A_621, %jit3A_622 : i32
          %ne3A_640 = arith.constant 0 : i32
          %ne3A_641 = arith.cmpi ne, %rem3A_639, %ne3A_640 : i32
          %and3A_642 = arith.andi %ne3A_638, %ne3A_641 : i1
          %sub3A_643 = arith.constant 1 : i32
          %sub3A_644 = arith.subi %div3A_623, %sub3A_643 : i32
          %select_n3A_645 = arith.select %and3A_642, %sub3A_644, %div3A_623 : i32
          %mul3A_646 = arith.constant 8 : i32
          %mul3A_647 = arith.muli %add3A_302, %mul3A_646 : i32
          %jit3A_648 = arith.constant 1000 : i32
          %div3A_649 = arith.divsi %mul3A_647, %jit3A_648 : i32
          %sign3A_650 = arith.constant 0 : i32
          %sign3A_651 = arith.cmpi sgt, %mul3A_647, %sign3A_650 : i32
          %sign3A_652 = arith.extui %sign3A_651 : i1 to i32
          %sign3A_653 = arith.constant 0 : i32
          %sign3A_654 = arith.cmpi slt, %mul3A_647, %sign3A_653 : i32
          %sign3A_655 = arith.extui %sign3A_654 : i1 to i32
          %sign3A_656 = arith.subi %sign3A_652, %sign3A_655 : i32
          %sign3A_657 = arith.constant 0 : i32
          %sign3A_658 = arith.cmpi sgt, %jit3A_648, %sign3A_657 : i32
          %sign3A_659 = arith.extui %sign3A_658 : i1 to i32
          %sign3A_660 = arith.constant 0 : i32
          %sign3A_661 = arith.cmpi slt, %jit3A_648, %sign3A_660 : i32
          %sign3A_662 = arith.extui %sign3A_661 : i1 to i32
          %sign3A_663 = arith.subi %sign3A_659, %sign3A_662 : i32
          %ne3A_664 = arith.cmpi ne, %sign3A_656, %sign3A_663 : i32
          %rem3A_665 = arith.remsi %mul3A_647, %jit3A_648 : i32
          %ne3A_666 = arith.constant 0 : i32
          %ne3A_667 = arith.cmpi ne, %rem3A_665, %ne3A_666 : i32
          %and3A_668 = arith.andi %ne3A_664, %ne3A_667 : i1
          %sub3A_669 = arith.constant 1 : i32
          %sub3A_670 = arith.subi %div3A_649, %sub3A_669 : i32
          %select_n3A_671 = arith.select %and3A_668, %sub3A_670, %div3A_649 : i32
          %ne3A_672 = arith.cmpi ne, %select_n3A_645, %select_n3A_671 : i32
          %ne3A_673 = arith.cmpi ne, %add3A_285, %add3A_304 : i32
          %or3A_674 = arith.constant false
          %or3A_675 = arith.ori %or3A_674, %ne3A_672 : i1
          %or3A_676 = arith.ori %or3A_675, %ne3A_673 : i1
          %not3A_677 = arith.constant true
          %not3A_678 = arith.xori %eq3A_279, %not3A_677 : i1
          %and3A_679 = arith.andi %or3A_676, %not3A_678 : i1
          %convert_element_type3A_680 = arith.extui %and3A_679 : i1 to i32
          %cond3A_681 = arith.constant 0 : i32
          %cond3A_682 = arith.cmpi ne, %convert_element_type3A_680, %cond3A_681 : i32
          scf.if %cond3A_682 {
          } else {
          }
          %and3A_683 = arith.constant false
          %and3A_684 = arith.andi %and3A_679, %and3A_683 : i1
          %ne3A_685 = arith.cmpi ne, %add3A_283, %add3A_302 : i32
          %or3A_686 = arith.constant false
          %or3A_687 = arith.ori %or3A_686, %ne3A_685 : i1
          %or3A_688 = arith.constant false
          %or3A_689 = arith.ori %or3A_687, %or3A_688 : i1
          %not3A_690 = arith.constant true
          %not3A_691 = arith.xori %eq3A_279, %not3A_690 : i1
          %and3A_692 = arith.andi %or3A_689, %not3A_691 : i1
          %convert_element_type3A_693 = arith.extui %and3A_692 : i1 to i32
          %cond3A_694 = arith.constant 0 : i32
          %cond3A_695 = arith.cmpi ne, %convert_element_type3A_693, %cond3A_694 : i32
          scf.if %cond3A_695 {
          } else {
          }
          %and3A_696 = arith.constant false
          %and3A_697 = arith.andi %and3A_692, %and3A_696 : i1
          %ne3A_698 = arith.cmpi ne, %add3A_283, %add3A_302 : i32
          %ne3A_699 = arith.cmpi ne, %add3A_285, %add3A_304 : i32
          %or3A_700 = arith.constant false
          %or3A_701 = arith.ori %or3A_700, %ne3A_698 : i1
          %or3A_702 = arith.ori %or3A_701, %ne3A_699 : i1
          %not3A_703 = arith.constant true
          %not3A_704 = arith.xori %eq3A_279, %not3A_703 : i1
          %and3A_705 = arith.andi %or3A_702, %not3A_704 : i1
          %convert_element_type3A_706 = arith.extui %and3A_705 : i1 to i32
          %cond3A_707 = arith.constant 0 : i32
          %cond3A_708 = arith.cmpi ne, %convert_element_type3A_706, %cond3A_707 : i32
          scf.if %cond3A_708 {
            "tpu.trace_start"() <{level = 10 : i32, message = "ep_wait_out"}> : () -> ()
            %rem3A_798 = arith.constant 2 : i32
            %rem3A_799 = arith.remui %while3A_271, %rem3A_798 : i32
            %mul3A_800 = arith.constant 8 : i32
            %mul3A_801 = arith.muli %mul3A_800, %add3A_302 : i32
            %mul3A_802 = arith.constant 1024 : i32
            %mul3A_803 = arith.muli %mul3A_802, %add3A_304 : i32
            %dma_wait3A = arith.constant 0 : i32
            %dma_wait3A_804 = arith.constant 0 : i32
            %dma_wait3A_805 = tpu.memref_slice %run_scoped3A_22[%rem3A_799, %dma_wait3A, %dma_wait3A_804] : memref<2x8x1024xf32, #tpu.memory_space<vmem>> -> memref<1x8x1024xf32, #tpu.memory_space<vmem>>
            %dma_wait3A_806 = tpu.memref_squeeze %dma_wait3A_805 : memref<1x8x1024xf32, #tpu.memory_space<vmem>> -> memref<8x1024xf32, #tpu.memory_space<vmem>>
            %dma_wait3A_807 = tpu.memref_slice %arg4[%mul3A_801, %mul3A_803] : memref<26000x4096xf32, #tpu.memory_space<hbm>> -> memref<8x1024xf32, #tpu.memory_space<hbm>>
            %dma_wait3A_808 = tpu.memref_slice %run_scoped3A_23[%rem3A_799] : memref<2x!tpu.dma_semaphore, #tpu.memory_space<semaphore_mem>> -> memref<1x!tpu.dma_semaphore, #tpu.memory_space<semaphore_mem>>
            %dma_wait3A_809 = tpu.memref_squeeze %dma_wait3A_808 : memref<1x!tpu.dma_semaphore, #tpu.memory_space<semaphore_mem>> -> memref<!tpu.dma_semaphore, #tpu.memory_space<semaphore_mem>>
            %dma_wait3A_810 = tpu.memref_slice %arg4[%mul3A_801, %mul3A_803] : memref<26000x4096xf32, #tpu.memory_space<hbm>> -> memref<8x1024xf32, #tpu.memory_space<hbm>>
            %dma_wait3A_811 = arith.constant 0 : i32
            %dma_wait3A_812 = arith.constant 0 : i32
            %dma_wait3A_813 = tpu.memref_slice %run_scoped3A_22[%rem3A_799, %dma_wait3A_811, %dma_wait3A_812] : memref<2x8x1024xf32, #tpu.memory_space<vmem>> -> memref<1x8x1024xf32, #tpu.memory_space<vmem>>
            %dma_wait3A_814 = tpu.memref_squeeze %dma_wait3A_813 : memref<1x8x1024xf32, #tpu.memory_space<vmem>> -> memref<8x1024xf32, #tpu.memory_space<vmem>>
            tpu.wait_dma2 semaphore(%dma_wait3A_809 : memref<!tpu.dma_semaphore, #tpu.memory_space<semaphore_mem>>) src(%dma_wait3A_814 : memref<8x1024xf32, #tpu.memory_space<vmem>>) dst(%dma_wait3A_810 : memref<8x1024xf32, #tpu.memory_space<hbm>>)
            "tpu.trace_stop"() : () -> ()
          } else {
          }
          %and3A_709 = arith.constant true
          %and3A_710 = arith.andi %and3A_705, %and3A_709 : i1
          %add3A_711 = arith.constant 1 : i32
          %add3A_712 = arith.addi %while3A_271, %add3A_711 : i32
          %select_n3A_713 = arith.select %and3A_710, %add3A_712, %while3A_271 : i32
          %mul3A_714 = arith.constant 8 : i32
          %mul3A_715 = arith.muli %add3A_283, %mul3A_714 : i32
          %jit3A_716 = arith.constant 1000 : i32
          %div3A_717 = arith.divsi %mul3A_715, %jit3A_716 : i32
          %sign3A_718 = arith.constant 0 : i32
          %sign3A_719 = arith.cmpi sgt, %mul3A_715, %sign3A_718 : i32
          %sign3A_720 = arith.extui %sign3A_719 : i1 to i32
          %sign3A_721 = arith.constant 0 : i32
          %sign3A_722 = arith.cmpi slt, %mul3A_715, %sign3A_721 : i32
          %sign3A_723 = arith.extui %sign3A_722 : i1 to i32
          %sign3A_724 = arith.subi %sign3A_720, %sign3A_723 : i32
          %sign3A_725 = arith.constant 0 : i32
          %sign3A_726 = arith.cmpi sgt, %jit3A_716, %sign3A_725 : i32
          %sign3A_727 = arith.extui %sign3A_726 : i1 to i32
          %sign3A_728 = arith.constant 0 : i32
          %sign3A_729 = arith.cmpi slt, %jit3A_716, %sign3A_728 : i32
          %sign3A_730 = arith.extui %sign3A_729 : i1 to i32
          %sign3A_731 = arith.subi %sign3A_727, %sign3A_730 : i32
          %ne3A_732 = arith.cmpi ne, %sign3A_724, %sign3A_731 : i32
          %rem3A_733 = arith.remsi %mul3A_715, %jit3A_716 : i32
          %ne3A_734 = arith.constant 0 : i32
          %ne3A_735 = arith.cmpi ne, %rem3A_733, %ne3A_734 : i32
          %and3A_736 = arith.andi %ne3A_732, %ne3A_735 : i1
          %sub3A_737 = arith.constant 1 : i32
          %sub3A_738 = arith.subi %div3A_717, %sub3A_737 : i32
          %select_n3A_739 = arith.select %and3A_736, %sub3A_738, %div3A_717 : i32
          %mul3A_740 = arith.constant 8 : i32
          %mul3A_741 = arith.muli %add3A_319, %mul3A_740 : i32
          %jit3A_742 = arith.constant 1000 : i32
          %div3A_743 = arith.divsi %mul3A_741, %jit3A_742 : i32
          %sign3A_744 = arith.constant 0 : i32
          %sign3A_745 = arith.cmpi sgt, %mul3A_741, %sign3A_744 : i32
          %sign3A_746 = arith.extui %sign3A_745 : i1 to i32
          %sign3A_747 = arith.constant 0 : i32
          %sign3A_748 = arith.cmpi slt, %mul3A_741, %sign3A_747 : i32
          %sign3A_749 = arith.extui %sign3A_748 : i1 to i32
          %sign3A_750 = arith.subi %sign3A_746, %sign3A_749 : i32
          %sign3A_751 = arith.constant 0 : i32
          %sign3A_752 = arith.cmpi sgt, %jit3A_742, %sign3A_751 : i32
          %sign3A_753 = arith.extui %sign3A_752 : i1 to i32
          %sign3A_754 = arith.constant 0 : i32
          %sign3A_755 = arith.cmpi slt, %jit3A_742, %sign3A_754 : i32
          %sign3A_756 = arith.extui %sign3A_755 : i1 to i32
          %sign3A_757 = arith.subi %sign3A_753, %sign3A_756 : i32
          %ne3A_758 = arith.cmpi ne, %sign3A_750, %sign3A_757 : i32
          %rem3A_759 = arith.remsi %mul3A_741, %jit3A_742 : i32
          %ne3A_760 = arith.constant 0 : i32
          %ne3A_761 = arith.cmpi ne, %rem3A_759, %ne3A_760 : i32
          %and3A_762 = arith.andi %ne3A_758, %ne3A_761 : i1
          %sub3A_763 = arith.constant 1 : i32
          %sub3A_764 = arith.subi %div3A_743, %sub3A_763 : i32
          %select_n3A_765 = arith.select %and3A_762, %sub3A_764, %div3A_743 : i32
          %ne3A_766 = arith.cmpi ne, %select_n3A_739, %select_n3A_765 : i32
          %ne3A_767 = arith.cmpi ne, %add3A_285, %add3A_321 : i32
          %or3A_768 = arith.constant false
          %or3A_769 = arith.ori %or3A_768, %ne3A_766 : i1
          %or3A_770 = arith.ori %or3A_769, %ne3A_767 : i1
          %or3A_771 = arith.ori %or3A_770, %eq3A_282 : i1
          %add3A_772 = arith.constant 1 : i32
          %add3A_773 = arith.addi %while3A_267, %add3A_772 : i32
          %select_n3A_774 = arith.select %or3A_771, %add3A_773, %while3A_267 : i32
          %ne3A_775 = arith.cmpi ne, %add3A_283, %add3A_319 : i32
          %or3A_776 = arith.constant false
          %or3A_777 = arith.ori %or3A_776, %ne3A_775 : i1
          %or3A_778 = arith.constant false
          %or3A_779 = arith.ori %or3A_777, %or3A_778 : i1
          %or3A_780 = arith.ori %or3A_779, %eq3A_282 : i1
          %add3A_781 = arith.constant 1 : i32
          %add3A_782 = arith.addi %while3A_269, %add3A_781 : i32
          %select_n3A_783 = arith.select %or3A_780, %add3A_782, %while3A_269 : i32
          %add3A_784 = arith.constant 1 : i32
          %add3A_785 = arith.addi %while3A_273, %add3A_784 : i32
          %select_n3A_786 = arith.constant true
          %select_n3A_787 = arith.select %select_n3A_786, %add3A_785, %while3A_273 : i32
          %eq3A_788 = arith.constant 4 : i32
          %eq3A_789 = arith.cmpi eq, %select_n3A_787, %eq3A_788 : i32
          %select_n3A_790 = arith.constant 0 : i32
          %select_n3A_791 = arith.select %eq3A_789, %select_n3A_790, %select_n3A_787 : i32
          %add3A_792 = arith.constant 1 : i32
          %add3A_793 = arith.addi %while3A_272, %add3A_792 : i32
          %select_n3A_794 = arith.select %eq3A_789, %add3A_793, %while3A_272 : i32
          %eq3A_795 = arith.cmpi eq, %select_n3A_794, %select_n3A : i32
          %select_n3A_796 = arith.constant 0 : i32
          %select_n3A_797 = arith.select %eq3A_795, %select_n3A_796, %select_n3A_794 : i32
          scf.yield %select_n3A_408, %select_n3A_774, %select_n3A_429, %select_n3A_783, %select_n3A_619, %select_n3A_713, %select_n3A_797, %select_n3A_791 : i32, i32, i32, i32, i32, i32, i32, i32
        }
        %while3A_171 = arith.constant 1 : i32
        %while3A_172:8 = scf.for %while3A_265 = %while3A_168 to %while3A_164 step %while3A_171 iter_args(%while3A_266 = %while3A_170#0, %while3A_267 = %while3A_170#1, %while3A_268 = %while3A_170#2, %while3A_269 = %while3A_170#3, %while3A_270 = %while3A_170#4, %while3A_271 = %while3A_170#5, %while3A_272 = %while3A_170#6, %while3A_273 = %while3A_170#7) -> (i32, i32, i32, i32, i32, i32, i32, i32)  : i32 {
          %mul3A_274 = arith.constant 1 : i32
          %mul3A_275 = arith.muli %mul3A_274, %select_n3A : i32
          %mul3A_276 = arith.constant 4 : i32
          %mul3A_277 = arith.muli %mul3A_275, %mul3A_276 : i32
          %eq3A_278 = arith.constant 0 : i32
          %eq3A_279 = arith.cmpi eq, %while3A_265, %eq3A_278 : i32
          %sub3A_280 = arith.constant 1 : i32
          %sub3A_281 = arith.subi %mul3A_277, %sub3A_280 : i32
          %eq3A_282 = arith.cmpi eq, %while3A_265, %sub3A_281 : i32
          %add3A_283 = arith.addi %while3A_272, %select_n3A_14 : i32
          %add3A_284 = arith.constant 0 : i32
          %add3A_285 = arith.addi %while3A_273, %add3A_284 : i32
          %sub3A_286 = arith.constant 1 : i32
          %sub3A_287 = arith.subi %while3A_273, %sub3A_286 : i32
          %select_n3A_288 = arith.constant true
          %select_n3A_289 = arith.select %select_n3A_288, %sub3A_287, %while3A_273 : i32
          %eq3A_290 = arith.constant -1 : i32
          %eq3A_291 = arith.cmpi eq, %select_n3A_289, %eq3A_290 : i32
          %select_n3A_292 = arith.constant 3 : i32
          %select_n3A_293 = arith.select %eq3A_291, %select_n3A_292, %select_n3A_289 : i32
          %sub3A_294 = arith.constant 1 : i32
          %sub3A_295 = arith.subi %while3A_272, %sub3A_294 : i32
          %select_n3A_296 = arith.select %eq3A_291, %sub3A_295, %while3A_272 : i32
          %eq3A_297 = arith.constant -1 : i32
          %eq3A_298 = arith.cmpi eq, %select_n3A_296, %eq3A_297 : i32
          %sub3A_299 = arith.constant 1 : i32
          %sub3A_300 = arith.subi %select_n3A, %sub3A_299 : i32
          %select_n3A_301 = arith.select %eq3A_298, %sub3A_300, %select_n3A_296 : i32
          %add3A_302 = arith.addi %select_n3A_301, %select_n3A_14 : i32
          %add3A_303 = arith.constant 0 : i32
          %add3A_304 = arith.addi %select_n3A_293, %add3A_303 : i32
          %add3A_305 = arith.constant 1 : i32
          %add3A_306 = arith.addi %while3A_273, %add3A_305 : i32
          %select_n3A_307 = arith.constant true
          %select_n3A_308 = arith.select %select_n3A_307, %add3A_306, %while3A_273 : i32
          %eq3A_309 = arith.constant 4 : i32
          %eq3A_310 = arith.cmpi eq, %select_n3A_308, %eq3A_309 : i32
          %select_n3A_311 = arith.constant 0 : i32
          %select_n3A_312 = arith.select %eq3A_310, %select_n3A_311, %select_n3A_308 : i32
          %add3A_313 = arith.constant 1 : i32
          %add3A_314 = arith.addi %while3A_272, %add3A_313 : i32
          %select_n3A_315 = arith.select %eq3A_310, %add3A_314, %while3A_272 : i32
          %eq3A_316 = arith.cmpi eq, %select_n3A_315, %select_n3A : i32
          %select_n3A_317 = arith.constant 0 : i32
          %select_n3A_318 = arith.select %eq3A_316, %select_n3A_317, %select_n3A_315 : i32
          %add3A_319 = arith.addi %select_n3A_318, %select_n3A_14 : i32
          %add3A_320 = arith.constant 0 : i32
          %add3A_321 = arith.addi %select_n3A_312, %add3A_320 : i32
          %add3A_322 = arith.constant 1 : i32
          %add3A_323 = arith.addi %select_n3A_312, %add3A_322 : i32
          %select_n3A_324 = arith.constant true
          %select_n3A_325 = arith.select %select_n3A_324, %add3A_323, %select_n3A_312 : i32
          %eq3A_326 = arith.constant 4 : i32
          %eq3A_327 = arith.cmpi eq, %select_n3A_325, %eq3A_326 : i32
          %select_n3A_328 = arith.constant 0 : i32
          %select_n3A_329 = arith.select %eq3A_327, %select_n3A_328, %select_n3A_325 : i32
          %add3A_330 = arith.constant 1 : i32
          %add3A_331 = arith.addi %select_n3A_318, %add3A_330 : i32
          %select_n3A_332 = arith.select %eq3A_327, %add3A_331, %select_n3A_318 : i32
          %eq3A_333 = arith.cmpi eq, %select_n3A_332, %select_n3A : i32
          %select_n3A_334 = arith.constant 0 : i32
          %select_n3A_335 = arith.select %eq3A_333, %select_n3A_334, %select_n3A_332 : i32
          %add3A_336 = arith.addi %select_n3A_335, %select_n3A_14 : i32
          %add3A_337 = arith.constant 0 : i32
          %add3A_338 = arith.addi %select_n3A_329, %add3A_337 : i32
          %mul3A_339 = arith.constant 8 : i32
          %mul3A_340 = arith.muli %add3A_283, %mul3A_339 : i32
          %jit3A_341 = arith.constant 1000 : i32
          %div3A_342 = arith.divsi %mul3A_340, %jit3A_341 : i32
          %sign3A_343 = arith.constant 0 : i32
          %sign3A_344 = arith.cmpi sgt, %mul3A_340, %sign3A_343 : i32
          %sign3A_345 = arith.extui %sign3A_344 : i1 to i32
          %sign3A_346 = arith.constant 0 : i32
          %sign3A_347 = arith.cmpi slt, %mul3A_340, %sign3A_346 : i32
          %sign3A_348 = arith.extui %sign3A_347 : i1 to i32
          %sign3A_349 = arith.subi %sign3A_345, %sign3A_348 : i32
          %sign3A_350 = arith.constant 0 : i32
          %sign3A_351 = arith.cmpi sgt, %jit3A_341, %sign3A_350 : i32
          %sign3A_352 = arith.extui %sign3A_351 : i1 to i32
          %sign3A_353 = arith.constant 0 : i32
          %sign3A_354 = arith.cmpi slt, %jit3A_341, %sign3A_353 : i32
          %sign3A_355 = arith.extui %sign3A_354 : i1 to i32
          %sign3A_356 = arith.subi %sign3A_352, %sign3A_355 : i32
          %ne3A_357 = arith.cmpi ne, %sign3A_349, %sign3A_356 : i32
          %rem3A_358 = arith.remsi %mul3A_340, %jit3A_341 : i32
          %ne3A_359 = arith.constant 0 : i32
          %ne3A_360 = arith.cmpi ne, %rem3A_358, %ne3A_359 : i32
          %and3A_361 = arith.andi %ne3A_357, %ne3A_360 : i1
          %sub3A_362 = arith.constant 1 : i32
          %sub3A_363 = arith.subi %div3A_342, %sub3A_362 : i32
          %select_n3A_364 = arith.select %and3A_361, %sub3A_363, %div3A_342 : i32
          %mul3A_365 = arith.constant 8 : i32
          %mul3A_366 = arith.muli %add3A_319, %mul3A_365 : i32
          %jit3A_367 = arith.constant 1000 : i32
          %div3A_368 = arith.divsi %mul3A_366, %jit3A_367 : i32
          %sign3A_369 = arith.constant 0 : i32
          %sign3A_370 = arith.cmpi sgt, %mul3A_366, %sign3A_369 : i32
          %sign3A_371 = arith.extui %sign3A_370 : i1 to i32
          %sign3A_372 = arith.constant 0 : i32
          %sign3A_373 = arith.cmpi slt, %mul3A_366, %sign3A_372 : i32
          %sign3A_374 = arith.extui %sign3A_373 : i1 to i32
          %sign3A_375 = arith.subi %sign3A_371, %sign3A_374 : i32
          %sign3A_376 = arith.constant 0 : i32
          %sign3A_377 = arith.cmpi sgt, %jit3A_367, %sign3A_376 : i32
          %sign3A_378 = arith.extui %sign3A_377 : i1 to i32
          %sign3A_379 = arith.constant 0 : i32
          %sign3A_380 = arith.cmpi slt, %jit3A_367, %sign3A_379 : i32
          %sign3A_381 = arith.extui %sign3A_380 : i1 to i32
          %sign3A_382 = arith.subi %sign3A_378, %sign3A_381 : i32
          %ne3A_383 = arith.cmpi ne, %sign3A_375, %sign3A_382 : i32
          %rem3A_384 = arith.remsi %mul3A_366, %jit3A_367 : i32
          %ne3A_385 = arith.constant 0 : i32
          %ne3A_386 = arith.cmpi ne, %rem3A_384, %ne3A_385 : i32
          %and3A_387 = arith.andi %ne3A_383, %ne3A_386 : i1
          %sub3A_388 = arith.constant 1 : i32
          %sub3A_389 = arith.subi %div3A_368, %sub3A_388 : i32
          %select_n3A_390 = arith.select %and3A_387, %sub3A_389, %div3A_368 : i32
          %ne3A_391 = arith.cmpi ne, %select_n3A_364, %select_n3A_390 : i32
          %ne3A_392 = arith.cmpi ne, %add3A_285, %add3A_321 : i32
          %or3A = arith.constant false
          %or3A_393 = arith.ori %or3A, %ne3A_391 : i1
          %or3A_394 = arith.ori %or3A_393, %ne3A_392 : i1
          %sub3A_395 = arith.constant 2 : i32
          %sub3A_396 = arith.subi %mul3A_277, %sub3A_395 : i32
          %add3A_397 = arith.constant 1 : i32
          %add3A_398 = arith.addi %sub3A_396, %add3A_397 : i32
          %ge3A = arith.cmpi sge, %while3A_265, %add3A_398 : i32
          %not3A = arith.constant true
          %not3A_399 = arith.xori %ge3A, %not3A : i1
          %and3A_400 = arith.andi %or3A_394, %not3A_399 : i1
          %convert_element_type3A_401 = arith.extui %and3A_400 : i1 to i32
          %cond3A_402 = arith.constant 0 : i32
          %cond3A_403 = arith.cmpi ne, %convert_element_type3A_401, %cond3A_402 : i32
          scf.if %cond3A_403 {
            "tpu.trace_start"() <{level = 10 : i32, message = "ep_copy_in"}> : () -> ()
            %rem3A_798 = arith.constant 2 : i32
            %rem3A_799 = arith.remui %while3A_266, %rem3A_798 : i32
            %mul3A_800 = arith.constant 8 : i32
            %mul3A_801 = arith.muli %add3A_319, %mul3A_800 : i32
            %jit3A_802 = arith.constant 1000 : i32
            %div3A_803 = arith.divsi %mul3A_801, %jit3A_802 : i32
            %sign3A_804 = arith.constant 0 : i32
            %sign3A_805 = arith.cmpi sgt, %mul3A_801, %sign3A_804 : i32
            %sign3A_806 = arith.extui %sign3A_805 : i1 to i32
            %sign3A_807 = arith.constant 0 : i32
            %sign3A_808 = arith.cmpi slt, %mul3A_801, %sign3A_807 : i32
            %sign3A_809 = arith.extui %sign3A_808 : i1 to i32
            %sign3A_810 = arith.subi %sign3A_806, %sign3A_809 : i32
            %sign3A_811 = arith.constant 0 : i32
            %sign3A_812 = arith.cmpi sgt, %jit3A_802, %sign3A_811 : i32
            %sign3A_813 = arith.extui %sign3A_812 : i1 to i32
            %sign3A_814 = arith.constant 0 : i32
            %sign3A_815 = arith.cmpi slt, %jit3A_802, %sign3A_814 : i32
            %sign3A_816 = arith.extui %sign3A_815 : i1 to i32
            %sign3A_817 = arith.subi %sign3A_813, %sign3A_816 : i32
            %ne3A_818 = arith.cmpi ne, %sign3A_810, %sign3A_817 : i32
            %rem3A_819 = arith.remsi %mul3A_801, %jit3A_802 : i32
            %ne3A_820 = arith.constant 0 : i32
            %ne3A_821 = arith.cmpi ne, %rem3A_819, %ne3A_820 : i32
            %and3A_822 = arith.andi %ne3A_818, %ne3A_821 : i1
            %sub3A_823 = arith.constant 1 : i32
            %sub3A_824 = arith.subi %div3A_803, %sub3A_823 : i32
            %select_n3A_825 = arith.select %and3A_822, %sub3A_824, %div3A_803 : i32
            %mul3A_826 = arith.constant 1 : i32
            %mul3A_827 = arith.muli %mul3A_826, %select_n3A_825 : i32
            %mul3A_828 = arith.constant 1024 : i32
            %mul3A_829 = arith.muli %mul3A_828, %add3A_321 : i32
            %dma_start3A_830 = arith.constant 0 : i32
            %dma_start3A_831 = arith.constant 0 : i32
            %dma_start3A_832 = tpu.memref_slice %run_scoped3A[%rem3A_799, %dma_start3A_830, %dma_start3A_831] : memref<2x1x1024xi32, #tpu.memory_space<vmem>> -> memref<1x1x1024xi32, #tpu.memory_space<vmem>>
            %dma_start3A_833 = tpu.memref_squeeze %dma_start3A_832 : memref<1x1x1024xi32, #tpu.memory_space<vmem>> -> memref<1x1024xi32, #tpu.memory_space<vmem>>
            %dma_start3A_834 = tpu.memref_slice %arg2[%mul3A_827, %mul3A_829] : memref<26x4096xi32, #tpu.memory_space<hbm>> -> memref<1x1024xi32, #tpu.memory_space<hbm>>
            %dma_start3A_835 = tpu.memref_slice %run_scoped3A_19[%rem3A_799] : memref<2x!tpu.dma_semaphore, #tpu.memory_space<semaphore_mem>> -> memref<1x!tpu.dma_semaphore, #tpu.memory_space<semaphore_mem>>
            %dma_start3A_836 = tpu.memref_squeeze %dma_start3A_835 : memref<1x!tpu.dma_semaphore, #tpu.memory_space<semaphore_mem>> -> memref<!tpu.dma_semaphore, #tpu.memory_space<semaphore_mem>>
            %dma_start3A_837 = arith.constant 0 : i32
            %dma_start3A_838 = arith.constant 0 : i32
            %dma_start3A_839 = tpu.memref_slice %run_scoped3A[%rem3A_799, %dma_start3A_837, %dma_start3A_838] : memref<2x1x1024xi32, #tpu.memory_space<vmem>> -> memref<1x1x1024xi32, #tpu.memory_space<vmem>>
            %dma_start3A_840 = tpu.memref_squeeze %dma_start3A_839 : memref<1x1x1024xi32, #tpu.memory_space<vmem>> -> memref<1x1024xi32, #tpu.memory_space<vmem>>
            %dma_start3A_841 = tpu.memref_slice %arg2[%mul3A_827, %mul3A_829] : memref<26x4096xi32, #tpu.memory_space<hbm>> -> memref<1x1024xi32, #tpu.memory_space<hbm>>
            tpu.enqueue_dma source(%dma_start3A_841 : memref<1x1024xi32, #tpu.memory_space<hbm>>) target(%dma_start3A_840 : memref<1x1024xi32, #tpu.memory_space<vmem>>) target_semaphore(%dma_start3A_836 : memref<!tpu.dma_semaphore, #tpu.memory_space<semaphore_mem>>)
            "tpu.trace_stop"() : () -> ()
          } else {
          }
          %and3A_404 = arith.constant true
          %and3A_405 = arith.andi %and3A_400, %and3A_404 : i1
          %add3A_406 = arith.constant 1 : i32
          %add3A_407 = arith.addi %while3A_266, %add3A_406 : i32
          %select_n3A_408 = arith.select %and3A_405, %add3A_407, %while3A_266 : i32
          %ne3A_409 = arith.cmpi ne, %add3A_283, %add3A_319 : i32
          %or3A_410 = arith.constant false
          %or3A_411 = arith.ori %or3A_410, %ne3A_409 : i1
          %or3A_412 = arith.constant false
          %or3A_413 = arith.ori %or3A_411, %or3A_412 : i1
          %sub3A_414 = arith.constant 2 : i32
          %sub3A_415 = arith.subi %mul3A_277, %sub3A_414 : i32
          %add3A_416 = arith.constant 1 : i32
          %add3A_417 = arith.addi %sub3A_415, %add3A_416 : i32
          %ge3A_418 = arith.cmpi sge, %while3A_265, %add3A_417 : i32
          %not3A_419 = arith.constant true
          %not3A_420 = arith.xori %ge3A_418, %not3A_419 : i1
          %and3A_421 = arith.andi %or3A_413, %not3A_420 : i1
          %convert_element_type3A_422 = arith.extui %and3A_421 : i1 to i32
          %cond3A_423 = arith.constant 0 : i32
          %cond3A_424 = arith.cmpi ne, %convert_element_type3A_422, %cond3A_423 : i32
          scf.if %cond3A_424 {
            "tpu.trace_start"() <{level = 10 : i32, message = "ep_copy_in"}> : () -> ()
            %rem3A_798 = arith.constant 2 : i32
            %rem3A_799 = arith.remui %while3A_268, %rem3A_798 : i32
            %mul3A_800 = arith.constant 8 : i32
            %mul3A_801 = arith.muli %mul3A_800, %add3A_319 : i32
            %dma_start3A_802 = arith.constant 0 : i32
            %dma_start3A_803 = arith.constant 0 : i32
            %dma_start3A_804 = tpu.memref_slice %run_scoped3A_20[%rem3A_799, %dma_start3A_802, %dma_start3A_803] : memref<2x8x1xi32, #tpu.memory_space<vmem>> -> memref<1x8x1xi32, #tpu.memory_space<vmem>>
            %dma_start3A_805 = tpu.memref_squeeze %dma_start3A_804 : memref<1x8x1xi32, #tpu.memory_space<vmem>> -> memref<8x1xi32, #tpu.memory_space<vmem>>
            %dma_start3A_806 = arith.constant 0 : i32
            %dma_start3A_807 = tpu.memref_slice %arg3[%mul3A_801, %dma_start3A_806] : memref<26000x1xi32, #tpu.memory_space<hbm>> -> memref<8x1xi32, #tpu.memory_space<hbm>>
            %dma_start3A_808 = tpu.memref_slice %run_scoped3A_21[%rem3A_799] : memref<2x!tpu.dma_semaphore, #tpu.memory_space<semaphore_mem>> -> memref<1x!tpu.dma_semaphore, #tpu.memory_space<semaphore_mem>>
            %dma_start3A_809 = tpu.memref_squeeze %dma_start3A_808 : memref<1x!tpu.dma_semaphore, #tpu.memory_space<semaphore_mem>> -> memref<!tpu.dma_semaphore, #tpu.memory_space<semaphore_mem>>
            %dma_start3A_810 = arith.constant 0 : i32
            %dma_start3A_811 = arith.constant 0 : i32
            %dma_start3A_812 = tpu.memref_slice %run_scoped3A_20[%rem3A_799, %dma_start3A_810, %dma_start3A_811] : memref<2x8x1xi32, #tpu.memory_space<vmem>> -> memref<1x8x1xi32, #tpu.memory_space<vmem>>
            %dma_start3A_813 = tpu.memref_squeeze %dma_start3A_812 : memref<1x8x1xi32, #tpu.memory_space<vmem>> -> memref<8x1xi32, #tpu.memory_space<vmem>>
            %dma_start3A_814 = arith.constant 0 : i32
            %dma_start3A_815 = tpu.memref_slice %arg3[%mul3A_801, %dma_start3A_814] : memref<26000x1xi32, #tpu.memory_space<hbm>> -> memref<8x1xi32, #tpu.memory_space<hbm>>
            tpu.enqueue_dma source(%dma_start3A_815 : memref<8x1xi32, #tpu.memory_space<hbm>>) target(%dma_start3A_813 : memref<8x1xi32, #tpu.memory_space<vmem>>) target_semaphore(%dma_start3A_809 : memref<!tpu.dma_semaphore, #tpu.memory_space<semaphore_mem>>)
            "tpu.trace_stop"() : () -> ()
          } else {
          }
          %and3A_425 = arith.constant true
          %and3A_426 = arith.andi %and3A_421, %and3A_425 : i1
          %add3A_427 = arith.constant 1 : i32
          %add3A_428 = arith.addi %while3A_268, %add3A_427 : i32
          %select_n3A_429 = arith.select %and3A_426, %add3A_428, %while3A_268 : i32
          %ne3A_430 = arith.cmpi ne, %add3A_283, %add3A_319 : i32
          %ne3A_431 = arith.cmpi ne, %add3A_285, %add3A_321 : i32
          %or3A_432 = arith.constant false
          %or3A_433 = arith.ori %or3A_432, %ne3A_430 : i1
          %or3A_434 = arith.ori %or3A_433, %ne3A_431 : i1
          %sub3A_435 = arith.constant 2 : i32
          %sub3A_436 = arith.subi %mul3A_277, %sub3A_435 : i32
          %add3A_437 = arith.constant 1 : i32
          %add3A_438 = arith.addi %sub3A_436, %add3A_437 : i32
          %ge3A_439 = arith.cmpi sge, %while3A_265, %add3A_438 : i32
          %not3A_440 = arith.constant true
          %not3A_441 = arith.xori %ge3A_439, %not3A_440 : i1
          %and3A_442 = arith.andi %or3A_434, %not3A_441 : i1
          %mul3A_443 = arith.constant 8 : i32
          %mul3A_444 = arith.muli %add3A_283, %mul3A_443 : i32
          %jit3A_445 = arith.constant 1000 : i32
          %div3A_446 = arith.divsi %mul3A_444, %jit3A_445 : i32
          %sign3A_447 = arith.constant 0 : i32
          %sign3A_448 = arith.cmpi sgt, %mul3A_444, %sign3A_447 : i32
          %sign3A_449 = arith.extui %sign3A_448 : i1 to i32
          %sign3A_450 = arith.constant 0 : i32
          %sign3A_451 = arith.cmpi slt, %mul3A_444, %sign3A_450 : i32
          %sign3A_452 = arith.extui %sign3A_451 : i1 to i32
          %sign3A_453 = arith.subi %sign3A_449, %sign3A_452 : i32
          %sign3A_454 = arith.constant 0 : i32
          %sign3A_455 = arith.cmpi sgt, %jit3A_445, %sign3A_454 : i32
          %sign3A_456 = arith.extui %sign3A_455 : i1 to i32
          %sign3A_457 = arith.constant 0 : i32
          %sign3A_458 = arith.cmpi slt, %jit3A_445, %sign3A_457 : i32
          %sign3A_459 = arith.extui %sign3A_458 : i1 to i32
          %sign3A_460 = arith.subi %sign3A_456, %sign3A_459 : i32
          %ne3A_461 = arith.cmpi ne, %sign3A_453, %sign3A_460 : i32
          %rem3A_462 = arith.remsi %mul3A_444, %jit3A_445 : i32
          %ne3A_463 = arith.constant 0 : i32
          %ne3A_464 = arith.cmpi ne, %rem3A_462, %ne3A_463 : i32
          %and3A_465 = arith.andi %ne3A_461, %ne3A_464 : i1
          %sub3A_466 = arith.constant 1 : i32
          %sub3A_467 = arith.subi %div3A_446, %sub3A_466 : i32
          %select_n3A_468 = arith.select %and3A_465, %sub3A_467, %div3A_446 : i32
          %mul3A_469 = arith.constant 8 : i32
          %mul3A_470 = arith.muli %add3A_302, %mul3A_469 : i32
          %jit3A_471 = arith.constant 1000 : i32
          %div3A_472 = arith.divsi %mul3A_470, %jit3A_471 : i32
          %sign3A_473 = arith.constant 0 : i32
          %sign3A_474 = arith.cmpi sgt, %mul3A_470, %sign3A_473 : i32
          %sign3A_475 = arith.extui %sign3A_474 : i1 to i32
          %sign3A_476 = arith.constant 0 : i32
          %sign3A_477 = arith.cmpi slt, %mul3A_470, %sign3A_476 : i32
          %sign3A_478 = arith.extui %sign3A_477 : i1 to i32
          %sign3A_479 = arith.subi %sign3A_475, %sign3A_478 : i32
          %sign3A_480 = arith.constant 0 : i32
          %sign3A_481 = arith.cmpi sgt, %jit3A_471, %sign3A_480 : i32
          %sign3A_482 = arith.extui %sign3A_481 : i1 to i32
          %sign3A_483 = arith.constant 0 : i32
          %sign3A_484 = arith.cmpi slt, %jit3A_471, %sign3A_483 : i32
          %sign3A_485 = arith.extui %sign3A_484 : i1 to i32
          %sign3A_486 = arith.subi %sign3A_482, %sign3A_485 : i32
          %ne3A_487 = arith.cmpi ne, %sign3A_479, %sign3A_486 : i32
          %rem3A_488 = arith.remsi %mul3A_470, %jit3A_471 : i32
          %ne3A_489 = arith.constant 0 : i32
          %ne3A_490 = arith.cmpi ne, %rem3A_488, %ne3A_489 : i32
          %and3A_491 = arith.andi %ne3A_487, %ne3A_490 : i1
          %sub3A_492 = arith.constant 1 : i32
          %sub3A_493 = arith.subi %div3A_472, %sub3A_492 : i32
          %select_n3A_494 = arith.select %and3A_491, %sub3A_493, %div3A_472 : i32
          %ne3A_495 = arith.cmpi ne, %select_n3A_468, %select_n3A_494 : i32
          %ne3A_496 = arith.cmpi ne, %add3A_285, %add3A_304 : i32
          %or3A_497 = arith.constant false
          %or3A_498 = arith.ori %or3A_497, %ne3A_495 : i1
          %or3A_499 = arith.ori %or3A_498, %ne3A_496 : i1
          %or3A_500 = arith.ori %or3A_499, %eq3A_279 : i1
          %convert_element_type3A_501 = arith.extui %or3A_500 : i1 to i32
          %cond3A_502 = arith.constant 0 : i32
          %cond3A_503 = arith.cmpi ne, %convert_element_type3A_501, %cond3A_502 : i32
          scf.if %cond3A_503 {
            "tpu.trace_start"() <{level = 10 : i32, message = "ep_wait_in"}> : () -> ()
            %mul3A_798 = arith.constant 8 : i32
            %mul3A_799 = arith.muli %add3A_283, %mul3A_798 : i32
            %jit3A_800 = arith.constant 1000 : i32
            %div3A_801 = arith.divsi %mul3A_799, %jit3A_800 : i32
            %sign3A_802 = arith.constant 0 : i32
            %sign3A_803 = arith.cmpi sgt, %mul3A_799, %sign3A_802 : i32
            %sign3A_804 = arith.extui %sign3A_803 : i1 to i32
            %sign3A_805 = arith.constant 0 : i32
            %sign3A_806 = arith.cmpi slt, %mul3A_799, %sign3A_805 : i32
            %sign3A_807 = arith.extui %sign3A_806 : i1 to i32
            %sign3A_808 = arith.subi %sign3A_804, %sign3A_807 : i32
            %sign3A_809 = arith.constant 0 : i32
            %sign3A_810 = arith.cmpi sgt, %jit3A_800, %sign3A_809 : i32
            %sign3A_811 = arith.extui %sign3A_810 : i1 to i32
            %sign3A_812 = arith.constant 0 : i32
            %sign3A_813 = arith.cmpi slt, %jit3A_800, %sign3A_812 : i32
            %sign3A_814 = arith.extui %sign3A_813 : i1 to i32
            %sign3A_815 = arith.subi %sign3A_811, %sign3A_814 : i32
            %ne3A_816 = arith.cmpi ne, %sign3A_808, %sign3A_815 : i32
            %rem3A_817 = arith.remsi %mul3A_799, %jit3A_800 : i32
            %ne3A_818 = arith.constant 0 : i32
            %ne3A_819 = arith.cmpi ne, %rem3A_817, %ne3A_818 : i32
            %and3A_820 = arith.andi %ne3A_816, %ne3A_819 : i1
            %sub3A_821 = arith.constant 1 : i32
            %sub3A_822 = arith.subi %div3A_801, %sub3A_821 : i32
            %select_n3A_823 = arith.select %and3A_820, %sub3A_822, %div3A_801 : i32
            %mul3A_824 = arith.constant 1 : i32
            %mul3A_825 = arith.muli %mul3A_824, %select_n3A_823 : i32
            %mul3A_826 = arith.constant 1024 : i32
            %mul3A_827 = arith.muli %mul3A_826, %add3A_285 : i32
            %rem3A_828 = arith.constant 2 : i32
            %rem3A_829 = arith.remui %while3A_267, %rem3A_828 : i32
            %dma_wait3A = arith.constant 0 : i32
            %dma_wait3A_830 = arith.constant 0 : i32
            %dma_wait3A_831 = tpu.memref_slice %run_scoped3A[%rem3A_829, %dma_wait3A, %dma_wait3A_830] : memref<2x1x1024xi32, #tpu.memory_space<vmem>> -> memref<1x1x1024xi32, #tpu.memory_space<vmem>>
            %dma_wait3A_832 = tpu.memref_squeeze %dma_wait3A_831 : memref<1x1x1024xi32, #tpu.memory_space<vmem>> -> memref<1x1024xi32, #tpu.memory_space<vmem>>
            %dma_wait3A_833 = tpu.memref_slice %arg2[%mul3A_825, %mul3A_827] : memref<26x4096xi32, #tpu.memory_space<hbm>> -> memref<1x1024xi32, #tpu.memory_space<hbm>>
            %dma_wait3A_834 = tpu.memref_slice %run_scoped3A_19[%rem3A_829] : memref<2x!tpu.dma_semaphore, #tpu.memory_space<semaphore_mem>> -> memref<1x!tpu.dma_semaphore, #tpu.memory_space<semaphore_mem>>
            %dma_wait3A_835 = tpu.memref_squeeze %dma_wait3A_834 : memref<1x!tpu.dma_semaphore, #tpu.memory_space<semaphore_mem>> -> memref<!tpu.dma_semaphore, #tpu.memory_space<semaphore_mem>>
            %dma_wait3A_836 = arith.constant 0 : i32
            %dma_wait3A_837 = arith.constant 0 : i32
            %dma_wait3A_838 = tpu.memref_slice %run_scoped3A[%rem3A_829, %dma_wait3A_836, %dma_wait3A_837] : memref<2x1x1024xi32, #tpu.memory_space<vmem>> -> memref<1x1x1024xi32, #tpu.memory_space<vmem>>
            %dma_wait3A_839 = tpu.memref_squeeze %dma_wait3A_838 : memref<1x1x1024xi32, #tpu.memory_space<vmem>> -> memref<1x1024xi32, #tpu.memory_space<vmem>>
            %dma_wait3A_840 = tpu.memref_slice %arg2[%mul3A_825, %mul3A_827] : memref<26x4096xi32, #tpu.memory_space<hbm>> -> memref<1x1024xi32, #tpu.memory_space<hbm>>
            tpu.wait_dma2 semaphore(%dma_wait3A_835 : memref<!tpu.dma_semaphore, #tpu.memory_space<semaphore_mem>>) src(%dma_wait3A_840 : memref<1x1024xi32, #tpu.memory_space<hbm>>) dst(%dma_wait3A_839 : memref<1x1024xi32, #tpu.memory_space<vmem>>)
            "tpu.trace_stop"() : () -> ()
          } else {
          }
          %ne3A_504 = arith.cmpi ne, %add3A_283, %add3A_302 : i32
          %or3A_505 = arith.constant false
          %or3A_506 = arith.ori %or3A_505, %ne3A_504 : i1
          %or3A_507 = arith.constant false
          %or3A_508 = arith.ori %or3A_506, %or3A_507 : i1
          %or3A_509 = arith.ori %or3A_508, %eq3A_279 : i1
          %convert_element_type3A_510 = arith.extui %or3A_509 : i1 to i32
          %cond3A_511 = arith.constant 0 : i32
          %cond3A_512 = arith.cmpi ne, %convert_element_type3A_510, %cond3A_511 : i32
          scf.if %cond3A_512 {
            "tpu.trace_start"() <{level = 10 : i32, message = "ep_wait_in"}> : () -> ()
            %mul3A_798 = arith.constant 8 : i32
            %mul3A_799 = arith.muli %mul3A_798, %add3A_283 : i32
            %rem3A_800 = arith.constant 2 : i32
            %rem3A_801 = arith.remui %while3A_269, %rem3A_800 : i32
            %dma_wait3A = arith.constant 0 : i32
            %dma_wait3A_802 = arith.constant 0 : i32
            %dma_wait3A_803 = tpu.memref_slice %run_scoped3A_20[%rem3A_801, %dma_wait3A, %dma_wait3A_802] : memref<2x8x1xi32, #tpu.memory_space<vmem>> -> memref<1x8x1xi32, #tpu.memory_space<vmem>>
            %dma_wait3A_804 = tpu.memref_squeeze %dma_wait3A_803 : memref<1x8x1xi32, #tpu.memory_space<vmem>> -> memref<8x1xi32, #tpu.memory_space<vmem>>
            %dma_wait3A_805 = arith.constant 0 : i32
            %dma_wait3A_806 = tpu.memref_slice %arg3[%mul3A_799, %dma_wait3A_805] : memref<26000x1xi32, #tpu.memory_space<hbm>> -> memref<8x1xi32, #tpu.memory_space<hbm>>
            %dma_wait3A_807 = tpu.memref_slice %run_scoped3A_21[%rem3A_801] : memref<2x!tpu.dma_semaphore, #tpu.memory_space<semaphore_mem>> -> memref<1x!tpu.dma_semaphore, #tpu.memory_space<semaphore_mem>>
            %dma_wait3A_808 = tpu.memref_squeeze %dma_wait3A_807 : memref<1x!tpu.dma_semaphore, #tpu.memory_space<semaphore_mem>> -> memref<!tpu.dma_semaphore, #tpu.memory_space<semaphore_mem>>
            %dma_wait3A_809 = arith.constant 0 : i32
            %dma_wait3A_810 = arith.constant 0 : i32
            %dma_wait3A_811 = tpu.memref_slice %run_scoped3A_20[%rem3A_801, %dma_wait3A_809, %dma_wait3A_810] : memref<2x8x1xi32, #tpu.memory_space<vmem>> -> memref<1x8x1xi32, #tpu.memory_space<vmem>>
            %dma_wait3A_812 = tpu.memref_squeeze %dma_wait3A_811 : memref<1x8x1xi32, #tpu.memory_space<vmem>> -> memref<8x1xi32, #tpu.memory_space<vmem>>
            %dma_wait3A_813 = arith.constant 0 : i32
            %dma_wait3A_814 = tpu.memref_slice %arg3[%mul3A_799, %dma_wait3A_813] : memref<26000x1xi32, #tpu.memory_space<hbm>> -> memref<8x1xi32, #tpu.memory_space<hbm>>
            tpu.wait_dma2 semaphore(%dma_wait3A_808 : memref<!tpu.dma_semaphore, #tpu.memory_space<semaphore_mem>>) src(%dma_wait3A_814 : memref<8x1xi32, #tpu.memory_space<hbm>>) dst(%dma_wait3A_812 : memref<8x1xi32, #tpu.memory_space<vmem>>)
            "tpu.trace_stop"() : () -> ()
          } else {
          }
          %ne3A_513 = arith.cmpi ne, %add3A_283, %add3A_302 : i32
          %ne3A_514 = arith.cmpi ne, %add3A_285, %add3A_304 : i32
          %or3A_515 = arith.constant false
          %or3A_516 = arith.ori %or3A_515, %ne3A_513 : i1
          %or3A_517 = arith.ori %or3A_516, %ne3A_514 : i1
          %or3A_518 = arith.ori %or3A_517, %eq3A_279 : i1
          %convert_element_type3A_519 = arith.extui %or3A_518 : i1 to i32
          %cond3A_520 = arith.constant 0 : i32
          %cond3A_521 = arith.cmpi ne, %convert_element_type3A_519, %cond3A_520 : i32
          scf.if %cond3A_521 {
          } else {
          }
          %rem3A_522 = arith.constant 2 : i32
          %rem3A_523 = arith.remui %while3A_267, %rem3A_522 : i32
          %rem3A_524 = arith.constant 2 : i32
          %rem3A_525 = arith.remui %while3A_269, %rem3A_524 : i32
          %rem3A_526 = arith.constant 2 : i32
          %rem3A_527 = arith.remui %while3A_270, %rem3A_526 : i32
          "tpu.trace_start"() <{level = 10 : i32, message = "ep_run_kernel"}> : () -> ()
          %scan3A = arith.constant 0 : i32
          %scan3A_528 = arith.constant 8 : i32
          %scan3A_529 = arith.addi %scan3A, %scan3A_528 : i32
          %scan3A_530 = arith.constant 1 : i32
          scf.for %scan3A_798 = %scan3A to %scan3A_529 step %scan3A_530  : i32 {
            %mul3A_799 = arith.constant 1 : i32
            %mul3A_800 = arith.muli %scan3A_798, %mul3A_799 : i32
            %add3A_801 = arith.constant 0 : i32
            %add3A_802 = arith.addi %add3A_801, %mul3A_800 : i32
            %get3A = arith.constant 0 : i32
            %get3A_803 = arith.constant 0 : i32
            %get3A_804 = arith.constant 0 : i32
            %get3A_805 = tpu.memref_slice %run_scoped3A_20[%rem3A_525, %get3A_803, %get3A_804] : memref<2x8x1xi32, #tpu.memory_space<vmem>> -> memref<1x8x1xi32, #tpu.memory_space<vmem>>
            %get3A_806 = tpu.memref_squeeze %get3A_805 : memref<1x8x1xi32, #tpu.memory_space<vmem>> -> memref<8x1xi32, #tpu.memory_space<vmem>>
            %get3A_807 = arith.index_cast %add3A_802 : i32 to index
            %get3A_808 = arith.index_cast %get3A : i32 to index
            %get3A_809 = tpu.vector_load %get3A_806[%get3A_807, %get3A_808] {strides = array<i32>} : memref<8x1xi32, #tpu.memory_space<vmem>>, vector<1x1xi32>,
            %get3A_810 = vector.shape_cast %get3A_809 : vector<1x1xi32> to vector<1xi32>
            %squeeze3A = vector.extract %get3A_810[0] : i32 from vector<1xi32>
            %scan3A_811 = arith.constant 0 : i32
            %scan3A_812 = arith.constant 64 : i32
            %scan3A_813 = arith.addi %scan3A_811, %scan3A_812 : i32
            %scan3A_814 = arith.constant 1 : i32
            scf.for %scan3A_816 = %scan3A_811 to %scan3A_813 step %scan3A_814  : i32 {
              %mul3A_817 = arith.constant 16 : i32
              %mul3A_818 = arith.muli %scan3A_816, %mul3A_817 : i32
              %add3A_819 = arith.constant 0 : i32
              %add3A_820 = arith.addi %add3A_819, %mul3A_818 : i32
              %get3A_821 = arith.constant 0 : i32
              %get3A_822 = arith.constant 0 : i32
              %get3A_823 = arith.constant 0 : i32
              %get3A_824 = tpu.memref_slice %run_scoped3A[%rem3A_523, %get3A_822, %get3A_823] : memref<2x1x1024xi32, #tpu.memory_space<vmem>> -> memref<1x1x1024xi32, #tpu.memory_space<vmem>>
              %get3A_825 = tpu.memref_squeeze %get3A_824 : memref<1x1x1024xi32, #tpu.memory_space<vmem>> -> memref<1x1024xi32, #tpu.memory_space<vmem>>
              %get3A_826 = arith.index_cast %get3A_821 : i32 to index
              %get3A_827 = arith.index_cast %add3A_820 : i32 to index
              %get3A_828 = tpu.vector_load %get3A_825[%get3A_826, %get3A_827] {strides = array<i32>} : memref<1x1024xi32, #tpu.memory_space<vmem>>, vector<1x16xi32>,
              %get3A_829 = vector.shape_cast %get3A_828 : vector<1x16xi32> to vector<16xi32>
              %eq3A_830 = vector.broadcast %squeeze3A : i32 to vector<16xi32>
              %eq3A_831 = arith.cmpi eq, %get3A_829, %eq3A_830 : vector<16xi32>
              %jit3A_832 = arith.constant 1.000000e+00 : f32
              %jit3A_833 = arith.constant 0.000000e+00 : f32
              %broadcast_in_dim3A = vector.broadcast %jit3A_832 : f32 to vector<16xf32>
              %broadcast_in_dim3A_834 = vector.broadcast %jit3A_833 : f32 to vector<16xf32>
              %select_n3A_835 = arith.select %eq3A_831, %broadcast_in_dim3A, %broadcast_in_dim3A_834 : vector<16xi1>, vector<16xf32>
              %swap3A = arith.constant 0 : i32
              %swap3A_836 = arith.constant 0 : i32
              %swap3A_837 = tpu.memref_slice %run_scoped3A_22[%rem3A_527, %swap3A, %swap3A_836] : memref<2x8x1024xf32, #tpu.memory_space<vmem>> -> memref<1x8x1024xf32, #tpu.memory_space<vmem>>
              %swap3A_838 = tpu.memref_squeeze %swap3A_837 : memref<1x8x1024xf32, #tpu.memory_space<vmem>> -> memref<8x1024xf32, #tpu.memory_space<vmem>>
              %swap3A_839 = arith.index_cast %add3A_802 : i32 to index
              %swap3A_840 = arith.index_cast %add3A_820 : i32 to index
              %swap3A_841 = tpu.vector_load %swap3A_838[%swap3A_839, %swap3A_840] {strides = array<i32>} : memref<8x1024xf32, #tpu.memory_space<vmem>>, vector<1x16xf32>,
              %swap3A_842 = vector.shape_cast %swap3A_841 : vector<1x16xf32> to vector<16xf32>
              %swap3A_843 = vector.shape_cast %select_n3A_835 : vector<16xf32> to vector<1x16xf32>
              tpu.vector_store %swap3A_838[%swap3A_839, %swap3A_840], %swap3A_843 {strides = array<i32>} : memref<8x1024xf32, #tpu.memory_space<vmem>>, vector<1x16xf32>,
            }
            %scan3A_815 = arith.constant 64 : i32
          }
          %scan3A_531 = arith.constant 8 : i32
          "tpu.trace_stop"() : () -> ()
          %mul3A_532 = arith.constant 8 : i32
          %mul3A_533 = arith.muli %add3A_283, %mul3A_532 : i32
          %jit3A_534 = arith.constant 1000 : i32
          %div3A_535 = arith.divsi %mul3A_533, %jit3A_534 : i32
          %sign3A_536 = arith.constant 0 : i32
          %sign3A_537 = arith.cmpi sgt, %mul3A_533, %sign3A_536 : i32
          %sign3A_538 = arith.extui %sign3A_537 : i1 to i32
          %sign3A_539 = arith.constant 0 : i32
          %sign3A_540 = arith.cmpi slt, %mul3A_533, %sign3A_539 : i32
          %sign3A_541 = arith.extui %sign3A_540 : i1 to i32
          %sign3A_542 = arith.subi %sign3A_538, %sign3A_541 : i32
          %sign3A_543 = arith.constant 0 : i32
          %sign3A_544 = arith.cmpi sgt, %jit3A_534, %sign3A_543 : i32
          %sign3A_545 = arith.extui %sign3A_544 : i1 to i32
          %sign3A_546 = arith.constant 0 : i32
          %sign3A_547 = arith.cmpi slt, %jit3A_534, %sign3A_546 : i32
          %sign3A_548 = arith.extui %sign3A_547 : i1 to i32
          %sign3A_549 = arith.subi %sign3A_545, %sign3A_548 : i32
          %ne3A_550 = arith.cmpi ne, %sign3A_542, %sign3A_549 : i32
          %rem3A_551 = arith.remsi %mul3A_533, %jit3A_534 : i32
          %ne3A_552 = arith.constant 0 : i32
          %ne3A_553 = arith.cmpi ne, %rem3A_551, %ne3A_552 : i32
          %and3A_554 = arith.andi %ne3A_550, %ne3A_553 : i1
          %sub3A_555 = arith.constant 1 : i32
          %sub3A_556 = arith.subi %div3A_535, %sub3A_555 : i32
          %select_n3A_557 = arith.select %and3A_554, %sub3A_556, %div3A_535 : i32
          %mul3A_558 = arith.constant 8 : i32
          %mul3A_559 = arith.muli %add3A_319, %mul3A_558 : i32
          %jit3A_560 = arith.constant 1000 : i32
          %div3A_561 = arith.divsi %mul3A_559, %jit3A_560 : i32
          %sign3A_562 = arith.constant 0 : i32
          %sign3A_563 = arith.cmpi sgt, %mul3A_559, %sign3A_562 : i32
          %sign3A_564 = arith.extui %sign3A_563 : i1 to i32
          %sign3A_565 = arith.constant 0 : i32
          %sign3A_566 = arith.cmpi slt, %mul3A_559, %sign3A_565 : i32
          %sign3A_567 = arith.extui %sign3A_566 : i1 to i32
          %sign3A_568 = arith.subi %sign3A_564, %sign3A_567 : i32
          %sign3A_569 = arith.constant 0 : i32
          %sign3A_570 = arith.cmpi sgt, %jit3A_560, %sign3A_569 : i32
          %sign3A_571 = arith.extui %sign3A_570 : i1 to i32
          %sign3A_572 = arith.constant 0 : i32
          %sign3A_573 = arith.cmpi slt, %jit3A_560, %sign3A_572 : i32
          %sign3A_574 = arith.extui %sign3A_573 : i1 to i32
          %sign3A_575 = arith.subi %sign3A_571, %sign3A_574 : i32
          %ne3A_576 = arith.cmpi ne, %sign3A_568, %sign3A_575 : i32
          %rem3A_577 = arith.remsi %mul3A_559, %jit3A_560 : i32
          %ne3A_578 = arith.constant 0 : i32
          %ne3A_579 = arith.cmpi ne, %rem3A_577, %ne3A_578 : i32
          %and3A_580 = arith.andi %ne3A_576, %ne3A_579 : i1
          %sub3A_581 = arith.constant 1 : i32
          %sub3A_582 = arith.subi %div3A_561, %sub3A_581 : i32
          %select_n3A_583 = arith.select %and3A_580, %sub3A_582, %div3A_561 : i32
          %ne3A_584 = arith.cmpi ne, %select_n3A_557, %select_n3A_583 : i32
          %ne3A_585 = arith.cmpi ne, %add3A_285, %add3A_321 : i32
          %or3A_586 = arith.constant false
          %or3A_587 = arith.ori %or3A_586, %ne3A_584 : i1
          %or3A_588 = arith.ori %or3A_587, %ne3A_585 : i1
          %or3A_589 = arith.ori %or3A_588, %eq3A_282 : i1
          %convert_element_type3A_590 = arith.extui %or3A_589 : i1 to i32
          %cond3A_591 = arith.constant 0 : i32
          %cond3A_592 = arith.cmpi ne, %convert_element_type3A_590, %cond3A_591 : i32
          scf.if %cond3A_592 {
          } else {
          }
          %and3A_593 = arith.constant false
          %and3A_594 = arith.andi %or3A_589, %and3A_593 : i1
          %ne3A_595 = arith.cmpi ne, %add3A_283, %add3A_319 : i32
          %or3A_596 = arith.constant false
          %or3A_597 = arith.ori %or3A_596, %ne3A_595 : i1
          %or3A_598 = arith.constant false
          %or3A_599 = arith.ori %or3A_597, %or3A_598 : i1
          %or3A_600 = arith.ori %or3A_599, %eq3A_282 : i1
          %convert_element_type3A_601 = arith.extui %or3A_600 : i1 to i32
          %cond3A_602 = arith.constant 0 : i32
          %cond3A_603 = arith.cmpi ne, %convert_element_type3A_601, %cond3A_602 : i32
          scf.if %cond3A_603 {
          } else {
          }
          %and3A_604 = arith.constant false
          %and3A_605 = arith.andi %or3A_600, %and3A_604 : i1
          %ne3A_606 = arith.cmpi ne, %add3A_283, %add3A_319 : i32
          %ne3A_607 = arith.cmpi ne, %add3A_285, %add3A_321 : i32
          %or3A_608 = arith.constant false
          %or3A_609 = arith.ori %or3A_608, %ne3A_606 : i1
          %or3A_610 = arith.ori %or3A_609, %ne3A_607 : i1
          %or3A_611 = arith.ori %or3A_610, %eq3A_282 : i1
          %convert_element_type3A_612 = arith.extui %or3A_611 : i1 to i32
          %cond3A_613 = arith.constant 0 : i32
          %cond3A_614 = arith.cmpi ne, %convert_element_type3A_612, %cond3A_613 : i32
          scf.if %cond3A_614 {
            "tpu.trace_start"() <{level = 10 : i32, message = "ep_copy_out"}> : () -> ()
            %rem3A_798 = arith.constant 2 : i32
            %rem3A_799 = arith.remui %while3A_270, %rem3A_798 : i32
            %mul3A_800 = arith.constant 8 : i32
            %mul3A_801 = arith.muli %mul3A_800, %add3A_283 : i32
            %mul3A_802 = arith.constant 1024 : i32
            %mul3A_803 = arith.muli %mul3A_802, %add3A_285 : i32
            %dma_start3A_804 = arith.constant 0 : i32
            %dma_start3A_805 = arith.constant 0 : i32
            %dma_start3A_806 = tpu.memref_slice %run_scoped3A_22[%rem3A_799, %dma_start3A_804, %dma_start3A_805] : memref<2x8x1024xf32, #tpu.memory_space<vmem>> -> memref<1x8x1024xf32, #tpu.memory_space<vmem>>
            %dma_start3A_807 = tpu.memref_squeeze %dma_start3A_806 : memref<1x8x1024xf32, #tpu.memory_space<vmem>> -> memref<8x1024xf32, #tpu.memory_space<vmem>>
            %dma_start3A_808 = tpu.memref_slice %arg4[%mul3A_801, %mul3A_803] : memref<26000x4096xf32, #tpu.memory_space<hbm>> -> memref<8x1024xf32, #tpu.memory_space<hbm>>
            %dma_start3A_809 = tpu.memref_slice %run_scoped3A_23[%rem3A_799] : memref<2x!tpu.dma_semaphore, #tpu.memory_space<semaphore_mem>> -> memref<1x!tpu.dma_semaphore, #tpu.memory_space<semaphore_mem>>
            %dma_start3A_810 = tpu.memref_squeeze %dma_start3A_809 : memref<1x!tpu.dma_semaphore, #tpu.memory_space<semaphore_mem>> -> memref<!tpu.dma_semaphore, #tpu.memory_space<semaphore_mem>>
            %dma_start3A_811 = tpu.memref_slice %arg4[%mul3A_801, %mul3A_803] : memref<26000x4096xf32, #tpu.memory_space<hbm>> -> memref<8x1024xf32, #tpu.memory_space<hbm>>
            %dma_start3A_812 = arith.constant 0 : i32
            %dma_start3A_813 = arith.constant 0 : i32
            %dma_start3A_814 = tpu.memref_slice %run_scoped3A_22[%rem3A_799, %dma_start3A_812, %dma_start3A_813] : memref<2x8x1024xf32, #tpu.memory_space<vmem>> -> memref<1x8x1024xf32, #tpu.memory_space<vmem>>
            %dma_start3A_815 = tpu.memref_squeeze %dma_start3A_814 : memref<1x8x1024xf32, #tpu.memory_space<vmem>> -> memref<8x1024xf32, #tpu.memory_space<vmem>>
            tpu.enqueue_dma source(%dma_start3A_815 : memref<8x1024xf32, #tpu.memory_space<vmem>>) target(%dma_start3A_811 : memref<8x1024xf32, #tpu.memory_space<hbm>>) target_semaphore(%dma_start3A_810 : memref<!tpu.dma_semaphore, #tpu.memory_space<semaphore_mem>>)
            "tpu.trace_stop"() : () -> ()
          } else {
          }
          %and3A_615 = arith.constant true
          %and3A_616 = arith.andi %or3A_611, %and3A_615 : i1
          %add3A_617 = arith.constant 1 : i32
          %add3A_618 = arith.addi %while3A_270, %add3A_617 : i32
          %select_n3A_619 = arith.select %and3A_616, %add3A_618, %while3A_270 : i32
          %mul3A_620 = arith.constant 8 : i32
          %mul3A_621 = arith.muli %add3A_283, %mul3A_620 : i32
          %jit3A_622 = arith.constant 1000 : i32
          %div3A_623 = arith.divsi %mul3A_621, %jit3A_622 : i32
          %sign3A_624 = arith.constant 0 : i32
          %sign3A_625 = arith.cmpi sgt, %mul3A_621, %sign3A_624 : i32
          %sign3A_626 = arith.extui %sign3A_625 : i1 to i32
          %sign3A_627 = arith.constant 0 : i32
          %sign3A_628 = arith.cmpi slt, %mul3A_621, %sign3A_627 : i32
          %sign3A_629 = arith.extui %sign3A_628 : i1 to i32
          %sign3A_630 = arith.subi %sign3A_626, %sign3A_629 : i32
          %sign3A_631 = arith.constant 0 : i32
          %sign3A_632 = arith.cmpi sgt, %jit3A_622, %sign3A_631 : i32
          %sign3A_633 = arith.extui %sign3A_632 : i1 to i32
          %sign3A_634 = arith.constant 0 : i32
          %sign3A_635 = arith.cmpi slt, %jit3A_622, %sign3A_634 : i32
          %sign3A_636 = arith.extui %sign3A_635 : i1 to i32
          %sign3A_637 = arith.subi %sign3A_633, %sign3A_636 : i32
          %ne3A_638 = arith.cmpi ne, %sign3A_630, %sign3A_637 : i32
          %rem3A_639 = arith.remsi %mul3A_621, %jit3A_622 : i32
          %ne3A_640 = arith.constant 0 : i32
          %ne3A_641 = arith.cmpi ne, %rem3A_639, %ne3A_640 : i32
          %and3A_642 = arith.andi %ne3A_638, %ne3A_641 : i1
          %sub3A_643 = arith.constant 1 : i32
          %sub3A_644 = arith.subi %div3A_623, %sub3A_643 : i32
          %select_n3A_645 = arith.select %and3A_642, %sub3A_644, %div3A_623 : i32
          %mul3A_646 = arith.constant 8 : i32
          %mul3A_647 = arith.muli %add3A_302, %mul3A_646 : i32
          %jit3A_648 = arith.constant 1000 : i32
          %div3A_649 = arith.divsi %mul3A_647, %jit3A_648 : i32
          %sign3A_650 = arith.constant 0 : i32
          %sign3A_651 = arith.cmpi sgt, %mul3A_647, %sign3A_650 : i32
          %sign3A_652 = arith.extui %sign3A_651 : i1 to i32
          %sign3A_653 = arith.constant 0 : i32
          %sign3A_654 = arith.cmpi slt, %mul3A_647, %sign3A_653 : i32
          %sign3A_655 = arith.extui %sign3A_654 : i1 to i32
          %sign3A_656 = arith.subi %sign3A_652, %sign3A_655 : i32
          %sign3A_657 = arith.constant 0 : i32
          %sign3A_658 = arith.cmpi sgt, %jit3A_648, %sign3A_657 : i32
          %sign3A_659 = arith.extui %sign3A_658 : i1 to i32
          %sign3A_660 = arith.constant 0 : i32
          %sign3A_661 = arith.cmpi slt, %jit3A_648, %sign3A_660 : i32
          %sign3A_662 = arith.extui %sign3A_661 : i1 to i32
          %sign3A_663 = arith.subi %sign3A_659, %sign3A_662 : i32
          %ne3A_664 = arith.cmpi ne, %sign3A_656, %sign3A_663 : i32
          %rem3A_665 = arith.remsi %mul3A_647, %jit3A_648 : i32
          %ne3A_666 = arith.constant 0 : i32
          %ne3A_667 = arith.cmpi ne, %rem3A_665, %ne3A_666 : i32
          %and3A_668 = arith.andi %ne3A_664, %ne3A_667 : i1
          %sub3A_669 = arith.constant 1 : i32
          %sub3A_670 = arith.subi %div3A_649, %sub3A_669 : i32
          %select_n3A_671 = arith.select %and3A_668, %sub3A_670, %div3A_649 : i32
          %ne3A_672 = arith.cmpi ne, %select_n3A_645, %select_n3A_671 : i32
          %ne3A_673 = arith.cmpi ne, %add3A_285, %add3A_304 : i32
          %or3A_674 = arith.constant false
          %or3A_675 = arith.ori %or3A_674, %ne3A_672 : i1
          %or3A_676 = arith.ori %or3A_675, %ne3A_673 : i1
          %not3A_677 = arith.constant true
          %not3A_678 = arith.xori %eq3A_279, %not3A_677 : i1
          %and3A_679 = arith.andi %or3A_676, %not3A_678 : i1
          %convert_element_type3A_680 = arith.extui %and3A_679 : i1 to i32
          %cond3A_681 = arith.constant 0 : i32
          %cond3A_682 = arith.cmpi ne, %convert_element_type3A_680, %cond3A_681 : i32
          scf.if %cond3A_682 {
          } else {
          }
          %and3A_683 = arith.constant false
          %and3A_684 = arith.andi %and3A_679, %and3A_683 : i1
          %ne3A_685 = arith.cmpi ne, %add3A_283, %add3A_302 : i32
          %or3A_686 = arith.constant false
          %or3A_687 = arith.ori %or3A_686, %ne3A_685 : i1
          %or3A_688 = arith.constant false
          %or3A_689 = arith.ori %or3A_687, %or3A_688 : i1
          %not3A_690 = arith.constant true
          %not3A_691 = arith.xori %eq3A_279, %not3A_690 : i1
          %and3A_692 = arith.andi %or3A_689, %not3A_691 : i1
          %convert_element_type3A_693 = arith.extui %and3A_692 : i1 to i32
          %cond3A_694 = arith.constant 0 : i32
          %cond3A_695 = arith.cmpi ne, %convert_element_type3A_693, %cond3A_694 : i32
          scf.if %cond3A_695 {
          } else {
          }
          %and3A_696 = arith.constant false
          %and3A_697 = arith.andi %and3A_692, %and3A_696 : i1
          %ne3A_698 = arith.cmpi ne, %add3A_283, %add3A_302 : i32
          %ne3A_699 = arith.cmpi ne, %add3A_285, %add3A_304 : i32
          %or3A_700 = arith.constant false
          %or3A_701 = arith.ori %or3A_700, %ne3A_698 : i1
          %or3A_702 = arith.ori %or3A_701, %ne3A_699 : i1
          %not3A_703 = arith.constant true
          %not3A_704 = arith.xori %eq3A_279, %not3A_703 : i1
          %and3A_705 = arith.andi %or3A_702, %not3A_704 : i1
          %convert_element_type3A_706 = arith.extui %and3A_705 : i1 to i32
          %cond3A_707 = arith.constant 0 : i32
          %cond3A_708 = arith.cmpi ne, %convert_element_type3A_706, %cond3A_707 : i32
          scf.if %cond3A_708 {
            "tpu.trace_start"() <{level = 10 : i32, message = "ep_wait_out"}> : () -> ()
            %rem3A_798 = arith.constant 2 : i32
            %rem3A_799 = arith.remui %while3A_271, %rem3A_798 : i32
            %mul3A_800 = arith.constant 8 : i32
            %mul3A_801 = arith.muli %mul3A_800, %add3A_302 : i32
            %mul3A_802 = arith.constant 1024 : i32
            %mul3A_803 = arith.muli %mul3A_802, %add3A_304 : i32
            %dma_wait3A = arith.constant 0 : i32
            %dma_wait3A_804 = arith.constant 0 : i32
            %dma_wait3A_805 = tpu.memref_slice %run_scoped3A_22[%rem3A_799, %dma_wait3A, %dma_wait3A_804] : memref<2x8x1024xf32, #tpu.memory_space<vmem>> -> memref<1x8x1024xf32, #tpu.memory_space<vmem>>
            %dma_wait3A_806 = tpu.memref_squeeze %dma_wait3A_805 : memref<1x8x1024xf32, #tpu.memory_space<vmem>> -> memref<8x1024xf32, #tpu.memory_space<vmem>>
            %dma_wait3A_807 = tpu.memref_slice %arg4[%mul3A_801, %mul3A_803] : memref<26000x4096xf32, #tpu.memory_space<hbm>> -> memref<8x1024xf32, #tpu.memory_space<hbm>>
            %dma_wait3A_808 = tpu.memref_slice %run_scoped3A_23[%rem3A_799] : memref<2x!tpu.dma_semaphore, #tpu.memory_space<semaphore_mem>> -> memref<1x!tpu.dma_semaphore, #tpu.memory_space<semaphore_mem>>
            %dma_wait3A_809 = tpu.memref_squeeze %dma_wait3A_808 : memref<1x!tpu.dma_semaphore, #tpu.memory_space<semaphore_mem>> -> memref<!tpu.dma_semaphore, #tpu.memory_space<semaphore_mem>>
            %dma_wait3A_810 = tpu.memref_slice %arg4[%mul3A_801, %mul3A_803] : memref<26000x4096xf32, #tpu.memory_space<hbm>> -> memref<8x1024xf32, #tpu.memory_space<hbm>>
            %dma_wait3A_811 = arith.constant 0 : i32
            %dma_wait3A_812 = arith.constant 0 : i32
            %dma_wait3A_813 = tpu.memref_slice %run_scoped3A_22[%rem3A_799, %dma_wait3A_811, %dma_wait3A_812] : memref<2x8x1024xf32, #tpu.memory_space<vmem>> -> memref<1x8x1024xf32, #tpu.memory_space<vmem>>
            %dma_wait3A_814 = tpu.memref_squeeze %dma_wait3A_813 : memref<1x8x1024xf32, #tpu.memory_space<vmem>> -> memref<8x1024xf32, #tpu.memory_space<vmem>>
            tpu.wait_dma2 semaphore(%dma_wait3A_809 : memref<!tpu.dma_semaphore, #tpu.memory_space<semaphore_mem>>) src(%dma_wait3A_814 : memref<8x1024xf32, #tpu.memory_space<vmem>>) dst(%dma_wait3A_810 : memref<8x1024xf32, #tpu.memory_space<hbm>>)
            "tpu.trace_stop"() : () -> ()
          } else {
          }
          %and3A_709 = arith.constant true
          %and3A_710 = arith.andi %and3A_705, %and3A_709 : i1
          %add3A_711 = arith.constant 1 : i32
          %add3A_712 = arith.addi %while3A_271, %add3A_711 : i32
          %select_n3A_713 = arith.select %and3A_710, %add3A_712, %while3A_271 : i32
          %mul3A_714 = arith.constant 8 : i32
          %mul3A_715 = arith.muli %add3A_283, %mul3A_714 : i32
          %jit3A_716 = arith.constant 1000 : i32
          %div3A_717 = arith.divsi %mul3A_715, %jit3A_716 : i32
          %sign3A_718 = arith.constant 0 : i32
          %sign3A_719 = arith.cmpi sgt, %mul3A_715, %sign3A_718 : i32
          %sign3A_720 = arith.extui %sign3A_719 : i1 to i32
          %sign3A_721 = arith.constant 0 : i32
          %sign3A_722 = arith.cmpi slt, %mul3A_715, %sign3A_721 : i32
          %sign3A_723 = arith.extui %sign3A_722 : i1 to i32
          %sign3A_724 = arith.subi %sign3A_720, %sign3A_723 : i32
          %sign3A_725 = arith.constant 0 : i32
          %sign3A_726 = arith.cmpi sgt, %jit3A_716, %sign3A_725 : i32
          %sign3A_727 = arith.extui %sign3A_726 : i1 to i32
          %sign3A_728 = arith.constant 0 : i32
          %sign3A_729 = arith.cmpi slt, %jit3A_716, %sign3A_728 : i32
          %sign3A_730 = arith.extui %sign3A_729 : i1 to i32
          %sign3A_731 = arith.subi %sign3A_727, %sign3A_730 : i32
          %ne3A_732 = arith.cmpi ne, %sign3A_724, %sign3A_731 : i32
          %rem3A_733 = arith.remsi %mul3A_715, %jit3A_716 : i32
          %ne3A_734 = arith.constant 0 : i32
          %ne3A_735 = arith.cmpi ne, %rem3A_733, %ne3A_734 : i32
          %and3A_736 = arith.andi %ne3A_732, %ne3A_735 : i1
          %sub3A_737 = arith.constant 1 : i32
          %sub3A_738 = arith.subi %div3A_717, %sub3A_737 : i32
          %select_n3A_739 = arith.select %and3A_736, %sub3A_738, %div3A_717 : i32
          %mul3A_740 = arith.constant 8 : i32
          %mul3A_741 = arith.muli %add3A_319, %mul3A_740 : i32
          %jit3A_742 = arith.constant 1000 : i32
          %div3A_743 = arith.divsi %mul3A_741, %jit3A_742 : i32
          %sign3A_744 = arith.constant 0 : i32
          %sign3A_745 = arith.cmpi sgt, %mul3A_741, %sign3A_744 : i32
          %sign3A_746 = arith.extui %sign3A_745 : i1 to i32
          %sign3A_747 = arith.constant 0 : i32
          %sign3A_748 = arith.cmpi slt, %mul3A_741, %sign3A_747 : i32
          %sign3A_749 = arith.extui %sign3A_748 : i1 to i32
          %sign3A_750 = arith.subi %sign3A_746, %sign3A_749 : i32
          %sign3A_751 = arith.constant 0 : i32
          %sign3A_752 = arith.cmpi sgt, %jit3A_742, %sign3A_751 : i32
          %sign3A_753 = arith.extui %sign3A_752 : i1 to i32
          %sign3A_754 = arith.constant 0 : i32
          %sign3A_755 = arith.cmpi slt, %jit3A_742, %sign3A_754 : i32
          %sign3A_756 = arith.extui %sign3A_755 : i1 to i32
          %sign3A_757 = arith.subi %sign3A_753, %sign3A_756 : i32
          %ne3A_758 = arith.cmpi ne, %sign3A_750, %sign3A_757 : i32
          %rem3A_759 = arith.remsi %mul3A_741, %jit3A_742 : i32
          %ne3A_760 = arith.constant 0 : i32
          %ne3A_761 = arith.cmpi ne, %rem3A_759, %ne3A_760 : i32
          %and3A_762 = arith.andi %ne3A_758, %ne3A_761 : i1
          %sub3A_763 = arith.constant 1 : i32
          %sub3A_764 = arith.subi %div3A_743, %sub3A_763 : i32
          %select_n3A_765 = arith.select %and3A_762, %sub3A_764, %div3A_743 : i32
          %ne3A_766 = arith.cmpi ne, %select_n3A_739, %select_n3A_765 : i32
          %ne3A_767 = arith.cmpi ne, %add3A_285, %add3A_321 : i32
          %or3A_768 = arith.constant false
          %or3A_769 = arith.ori %or3A_768, %ne3A_766 : i1
          %or3A_770 = arith.ori %or3A_769, %ne3A_767 : i1
          %or3A_771 = arith.ori %or3A_770, %eq3A_282 : i1
          %add3A_772 = arith.constant 1 : i32
          %add3A_773 = arith.addi %while3A_267, %add3A_772 : i32
          %select_n3A_774 = arith.select %or3A_771, %add3A_773, %while3A_267 : i32
          %ne3A_775 = arith.cmpi ne, %add3A_283, %add3A_319 : i32
          %or3A_776 = arith.constant false
          %or3A_777 = arith.ori %or3A_776, %ne3A_775 : i1
          %or3A_778 = arith.constant false
          %or3A_779 = arith.ori %or3A_777, %or3A_778 : i1
          %or3A_780 = arith.ori %or3A_779, %eq3A_282 : i1
          %add3A_781 = arith.constant 1 : i32
          %add3A_782 = arith.addi %while3A_269, %add3A_781 : i32
          %select_n3A_783 = arith.select %or3A_780, %add3A_782, %while3A_269 : i32
          %add3A_784 = arith.constant 1 : i32
          %add3A_785 = arith.addi %while3A_273, %add3A_784 : i32
          %select_n3A_786 = arith.constant true
          %select_n3A_787 = arith.select %select_n3A_786, %add3A_785, %while3A_273 : i32
          %eq3A_788 = arith.constant 4 : i32
          %eq3A_789 = arith.cmpi eq, %select_n3A_787, %eq3A_788 : i32
          %select_n3A_790 = arith.constant 0 : i32
          %select_n3A_791 = arith.select %eq3A_789, %select_n3A_790, %select_n3A_787 : i32
          %add3A_792 = arith.constant 1 : i32
          %add3A_793 = arith.addi %while3A_272, %add3A_792 : i32
          %select_n3A_794 = arith.select %eq3A_789, %add3A_793, %while3A_272 : i32
          %eq3A_795 = arith.cmpi eq, %select_n3A_794, %select_n3A : i32
          %select_n3A_796 = arith.constant 0 : i32
          %select_n3A_797 = arith.select %eq3A_795, %select_n3A_796, %select_n3A_794 : i32
          scf.yield %select_n3A_408, %select_n3A_774, %select_n3A_429, %select_n3A_783, %select_n3A_619, %select_n3A_713, %select_n3A_797, %select_n3A_791 : i32, i32, i32, i32, i32, i32, i32, i32
        }
        %sub3A_173 = arith.constant 1 : i32
        %sub3A_174 = arith.subi %while3A_172#7, %sub3A_173 : i32
        %select_n3A_175 = arith.constant true
        %select_n3A_176 = arith.select %select_n3A_175, %sub3A_174, %while3A_172#7 : i32
        %eq3A_177 = arith.constant -1 : i32
        %eq3A_178 = arith.cmpi eq, %select_n3A_176, %eq3A_177 : i32
        %select_n3A_179 = arith.constant 3 : i32
        %select_n3A_180 = arith.select %eq3A_178, %select_n3A_179, %select_n3A_176 : i32
        %sub3A_181 = arith.constant 1 : i32
        %sub3A_182 = arith.subi %while3A_172#6, %sub3A_181 : i32
        %select_n3A_183 = arith.select %eq3A_178, %sub3A_182, %while3A_172#6 : i32
        %eq3A_184 = arith.constant -1 : i32
        %eq3A_185 = arith.cmpi eq, %select_n3A_183, %eq3A_184 : i32
        %sub3A_186 = arith.constant 1 : i32
        %sub3A_187 = arith.subi %select_n3A, %sub3A_186 : i32
        %select_n3A_188 = arith.select %eq3A_185, %sub3A_187, %select_n3A_183 : i32
        %sub3A_189 = arith.constant 1 : i32
        %sub3A_190 = arith.subi %mul3A_18, %sub3A_189 : i32
        %mul3A_191 = arith.constant 1 : i32
        %mul3A_192 = arith.muli %mul3A_191, %select_n3A : i32
        %mul3A_193 = arith.constant 4 : i32
        %mul3A_194 = arith.muli %mul3A_192, %mul3A_193 : i32
        %eq3A_195 = arith.constant 0 : i32
        %eq3A_196 = arith.cmpi eq, %sub3A_190, %eq3A_195 : i32
        %sub3A_197 = arith.constant 1 : i32
        %sub3A_198 = arith.subi %mul3A_194, %sub3A_197 : i32
        %eq3A_199 = arith.cmpi eq, %sub3A_190, %sub3A_198 : i32
        %add3A_200 = arith.addi %select_n3A_188, %select_n3A_14 : i32
        %add3A_201 = arith.constant 0 : i32
        %add3A_202 = arith.addi %select_n3A_180, %add3A_201 : i32
        %sub3A_203 = arith.constant 1 : i32
        %sub3A_204 = arith.subi %select_n3A_180, %sub3A_203 : i32
        %select_n3A_205 = arith.constant true
        %select_n3A_206 = arith.select %select_n3A_205, %sub3A_204, %select_n3A_180 : i32
        %eq3A_207 = arith.constant -1 : i32
        %eq3A_208 = arith.cmpi eq, %select_n3A_206, %eq3A_207 : i32
        %select_n3A_209 = arith.constant 3 : i32
        %select_n3A_210 = arith.select %eq3A_208, %select_n3A_209, %select_n3A_206 : i32
        %sub3A_211 = arith.constant 1 : i32
        %sub3A_212 = arith.subi %select_n3A_188, %sub3A_211 : i32
        %select_n3A_213 = arith.select %eq3A_208, %sub3A_212, %select_n3A_188 : i32
        %eq3A_214 = arith.constant -1 : i32
        %eq3A_215 = arith.cmpi eq, %select_n3A_213, %eq3A_214 : i32
        %sub3A_216 = arith.constant 1 : i32
        %sub3A_217 = arith.subi %select_n3A, %sub3A_216 : i32
        %select_n3A_218 = arith.select %eq3A_215, %sub3A_217, %select_n3A_213 : i32
        %add3A_219 = arith.addi %select_n3A_218, %select_n3A_14 : i32
        %add3A_220 = arith.constant 0 : i32
        %add3A_221 = arith.addi %select_n3A_210, %add3A_220 : i32
        %add3A_222 = arith.constant 1 : i32
        %add3A_223 = arith.addi %select_n3A_180, %add3A_222 : i32
        %select_n3A_224 = arith.constant true
        %select_n3A_225 = arith.select %select_n3A_224, %add3A_223, %select_n3A_180 : i32
        %eq3A_226 = arith.constant 4 : i32
        %eq3A_227 = arith.cmpi eq, %select_n3A_225, %eq3A_226 : i32
        %select_n3A_228 = arith.constant 0 : i32
        %select_n3A_229 = arith.select %eq3A_227, %select_n3A_228, %select_n3A_225 : i32
        %add3A_230 = arith.constant 1 : i32
        %add3A_231 = arith.addi %select_n3A_188, %add3A_230 : i32
        %select_n3A_232 = arith.select %eq3A_227, %add3A_231, %select_n3A_188 : i32
        %eq3A_233 = arith.cmpi eq, %select_n3A_232, %select_n3A : i32
        %select_n3A_234 = arith.constant 0 : i32
        %select_n3A_235 = arith.select %eq3A_233, %select_n3A_234, %select_n3A_232 : i32
        %add3A_236 = arith.addi %select_n3A_235, %select_n3A_14 : i32
        %add3A_237 = arith.constant 0 : i32
        %add3A_238 = arith.addi %select_n3A_229, %add3A_237 : i32
        %add3A_239 = arith.constant 1 : i32
        %add3A_240 = arith.addi %select_n3A_229, %add3A_239 : i32
        %select_n3A_241 = arith.constant true
        %select_n3A_242 = arith.select %select_n3A_241, %add3A_240, %select_n3A_229 : i32
        %eq3A_243 = arith.constant 4 : i32
        %eq3A_244 = arith.cmpi eq, %select_n3A_242, %eq3A_243 : i32
        %select_n3A_245 = arith.constant 0 : i32
        %select_n3A_246 = arith.select %eq3A_244, %select_n3A_245, %select_n3A_242 : i32
        %add3A_247 = arith.constant 1 : i32
        %add3A_248 = arith.addi %select_n3A_235, %add3A_247 : i32
        %select_n3A_249 = arith.select %eq3A_244, %add3A_248, %select_n3A_235 : i32
        %eq3A_250 = arith.cmpi eq, %select_n3A_249, %select_n3A : i32
        %select_n3A_251 = arith.constant 0 : i32
        %select_n3A_252 = arith.select %eq3A_250, %select_n3A_251, %select_n3A_249 : i32
        %add3A_253 = arith.addi %select_n3A_252, %select_n3A_14 : i32
        %add3A_254 = arith.constant 0 : i32
        %add3A_255 = arith.addi %select_n3A_246, %add3A_254 : i32
        %convert_element_type3A_256 = arith.extui %eq3A_199 : i1 to i32
        %cond3A_257 = arith.constant 0 : i32
        %cond3A_258 = arith.cmpi ne, %convert_element_type3A_256, %cond3A_257 : i32
        scf.if %cond3A_258 {
        } else {
        }
        %convert_element_type3A_259 = arith.extui %eq3A_199 : i1 to i32
        %cond3A_260 = arith.constant 0 : i32
        %cond3A_261 = arith.cmpi ne, %convert_element_type3A_259, %cond3A_260 : i32
        scf.if %cond3A_261 {
        } else {
        }
        %convert_element_type3A_262 = arith.extui %eq3A_199 : i1 to i32
        %cond3A_263 = arith.constant 0 : i32
        %cond3A_264 = arith.cmpi ne, %convert_element_type3A_262, %cond3A_263 : i32
        scf.if %cond3A_264 {
          "tpu.trace_start"() <{level = 10 : i32, message = "ep_finalize"}> : () -> ()
          %rem3A_265 = arith.constant 2 : i32
          %rem3A_266 = arith.remui %while3A_172#5, %rem3A_265 : i32
          %mul3A_267 = arith.constant 8 : i32
          %mul3A_268 = arith.muli %mul3A_267, %add3A_200 : i32
          %mul3A_269 = arith.constant 1024 : i32
          %mul3A_270 = arith.muli %mul3A_269, %add3A_202 : i32
          %dma_wait3A = arith.constant 0 : i32
          %dma_wait3A_271 = arith.constant 0 : i32
          %dma_wait3A_272 = tpu.memref_slice %run_scoped3A_22[%rem3A_266, %dma_wait3A, %dma_wait3A_271] : memref<2x8x1024xf32, #tpu.memory_space<vmem>> -> memref<1x8x1024xf32, #tpu.memory_space<vmem>>
          %dma_wait3A_273 = tpu.memref_squeeze %dma_wait3A_272 : memref<1x8x1024xf32, #tpu.memory_space<vmem>> -> memref<8x1024xf32, #tpu.memory_space<vmem>>
          %dma_wait3A_274 = tpu.memref_slice %arg4[%mul3A_268, %mul3A_270] : memref<26000x4096xf32, #tpu.memory_space<hbm>> -> memref<8x1024xf32, #tpu.memory_space<hbm>>
          %dma_wait3A_275 = tpu.memref_slice %run_scoped3A_23[%rem3A_266] : memref<2x!tpu.dma_semaphore, #tpu.memory_space<semaphore_mem>> -> memref<1x!tpu.dma_semaphore, #tpu.memory_space<semaphore_mem>>
          %dma_wait3A_276 = tpu.memref_squeeze %dma_wait3A_275 : memref<1x!tpu.dma_semaphore, #tpu.memory_space<semaphore_mem>> -> memref<!tpu.dma_semaphore, #tpu.memory_space<semaphore_mem>>
          %dma_wait3A_277 = tpu.memref_slice %arg4[%mul3A_268, %mul3A_270] : memref<26000x4096xf32, #tpu.memory_space<hbm>> -> memref<8x1024xf32, #tpu.memory_space<hbm>>
          %dma_wait3A_278 = arith.constant 0 : i32
          %dma_wait3A_279 = arith.constant 0 : i32
          %dma_wait3A_280 = tpu.memref_slice %run_scoped3A_22[%rem3A_266, %dma_wait3A_278, %dma_wait3A_279] : memref<2x8x1024xf32, #tpu.memory_space<vmem>> -> memref<1x8x1024xf32, #tpu.memory_space<vmem>>
          %dma_wait3A_281 = tpu.memref_squeeze %dma_wait3A_280 : memref<1x8x1024xf32, #tpu.memory_space<vmem>> -> memref<8x1024xf32, #tpu.memory_space<vmem>>
          tpu.wait_dma2 semaphore(%dma_wait3A_276 : memref<!tpu.dma_semaphore, #tpu.memory_space<semaphore_mem>>) src(%dma_wait3A_281 : memref<8x1024xf32, #tpu.memory_space<vmem>>) dst(%dma_wait3A_277 : memref<8x1024xf32, #tpu.memory_space<hbm>>)
          "tpu.trace_stop"() : () -> ()
        } else {
        }
      } else {
      }
      tpu.yield
    }) : () -> ()
    return
  }
}

</mosaic_0001>

<sc_bundles>
// kernel: kernel.3.cloned.1.call-start
scs
__scs_entry_jumppad:
0x0: {  	(pc) =	sbr.rel $0x88, $3  }
0x1: {  	(tag) =	ssettag $0x0;
	lr =	simm.s32 $0x1  }
0x2: {  	[smem:$0x3FA0] =	sst lr;
	_ =	strace $0xD0000000  }
0x3: {  	_ = 	snop  }
0x4: {  	_ = 	snop  }
0x5: {  	_ = 	snop  }
0x6: {  	_ = 	snop  }
0x7: {  	_ = 	snop  }
__scs_overlays_trampoline_lowered:
0x8: {  	[smem:$0x3FAF] =	sst s0  }
0x9: {  	[smem:$0x3FB0] =	sst s1  }
0xa: {  	[smem:$0x3FB1] =	sst s2  }
0xb: {  	[smem:$0x3FB2] =	sst s3  }
0xc: {  	[smem:$0x3FB3] =	sst s4  }
0xd: {  	[smem:$0x3FB4] =	sst s5  }
0xe: {  	[smem:$0x3FB5] =	sst s6  }
0xf: {  	[smem:$0x3FB6] =	sst s7  }
0x10: {  	[smem:$0x3FB7] =	sst s8  }
0x11: {  	[smem:$0x3FB8] =	sst s9;
	s0 =	simm.s32 @!p0 $0x0  }
0x12: {  	s1 =	sld [smem:$0x3F9E];
	s0 =	simm.s32 @p0 $0x1  }
0x13: {  	[smem:$0x3FB9] =	sst s0;
	s0 =	simm.s32 @!p1 $0x0  }
0x14: {  	s2 =	sld [smem:$0x3F9D];
	s0 =	simm.s32 @p1 $0x1  }
0x15: {  	[smem:$0x3FBA] =	sst s0;
	s0 =	simm.s32 @!p2 $0x0  }
0x16: {  	s3 =	sld [smem:$0x3FDB];
	s0 =	simm.s32 @p2 $0x1  }
0x17: {  	s4 =	simm.s32 $0x1BF5;
	[smem:$0x3FBC] =	sst s0  }
0x18: {  	s0 =	sld [smem:$0x3F9F];
	_ =	swait.ge [sflag:s4], $0x0  }
0x19: {  	s7 =	sld [smem:$0x3FA0]  }
0x1a: {  	s8 =	sadd.s32 $0xFFFFE003, lr  }
0x1b: {  	s9 =	sadd.s32 $0xFFFFFEF7, lr;
	s5 =	simm.s32 $0xFFFFFFFF;
	p2 =	slt.u32 s8, $0xFFFFF086  }
0x1c: {  	p1 =	slt.u32 s9, $0xF7A;
	s5 =	simm.s32 @!p2 $0x0  }
0x1d: {  	s5 =	simm.s32 @p1 $0x1;
	p0 =	seq.s32 s7, s2  }
0x1e: {  	s7 =	smul.u32 @!p0 $0xF7A, s2;
	p2 =	seq.s32 @!p0 s5, $0x0  }
0x1f: {  	s9 =	smul.u32 $0xF7A, s1;
	s8 =	simm.s32 @!p0 $0x1BF5;
	p2 =	por !p2, p0  }
0x20: {  	[sflag:s8] =	ssyncset.s32 @!p0 $0xFFFFF086;
	s6 =	sadd.s32 @!p0 s3, s7;
	s7 =	simm.s32 @!p0 $0x108  }
0x21: {  	s3 =	sadd.s32 s3, s9;
	s6 =	sadd.s32 @!p0 $0x88, s6;
	s7 =	simm.s32 @p2 $0x1082  }
0x22: {  	[simem:s7], [sflag:s8] =	dma.local @!p0 [hbm:s6], $0xF7A  }
0x23: {  	s9 =	sor.u32 $0xD0000000, s2;
	s6 =	simm.s32 $0x108;
	_ =	swait.ge @!p0 [sflag:s8], $0x0  }
0x24: {  	s3 =	sadd.s32 $0x88, s3;
	s6 =	simm.s32 @!p1 $0x1082;
	[sflag:s4] =	ssyncset.s32 $0xFFFFF086  }
0x25: {  	[simem:s6], [sflag:s4] =	dma.local [hbm:s3], $0xF7A  }
0x26: {  	[smem:$0x3FA0] =	sst s1;
	(tag) =	ssettag s2;
	_ =	strace s9  }
0x27: {  	s1 =	sld [smem:$0x3FB0]  }
0x28: {  	s2 =	sld [smem:$0x3FB1]  }
0x29: {  	s4 =	sld [smem:$0x3FB3]  }
0x2a: {  	p0 =	seq.s32 s5, $0x0;
	s5 =	sld [smem:$0x3FB4]  }
0x2b: {  	s6 =	sld [smem:$0x3FB5]  }
0x2c: {  	s7 =	sld [smem:$0x3FB6]  }
0x2d: {  	s3 =	simm.s32 $0x108;
	s8 =	sld [smem:$0x3FB7]  }
0x2e: {  	s3 =	simm.s32 @!p0 $0x1082;
	s9 =	sld [smem:$0x3FB8]  }
0x2f: {  	lr =	sadd.s32 s0, s3;
	s0 =	sld [smem:$0x3FAF]  }
0x30: {  	s3 =	sld [smem:$0x3FB2]  }
0x31: {  	[smem:$0x3FBB] =	sst s10  }
0x32: {  	s10 =	sld [smem:$0x3FB9];
	_ =	sdelay $0x3  }
0x33: {  	p0 =	seq.s32 s10, $0x1;
	s10 =	sld [smem:$0x3FBB];
	_ =	sdelay $0x3  }
0x34: {  	[smem:$0x3FBB] =	sst s10  }
0x35: {  	s10 =	sld [smem:$0x3FBA];
	_ =	sdelay $0x3  }
0x36: {  	p1 =	seq.s32 s10, $0x1;
	s10 =	sld [smem:$0x3FBB];
	_ =	sdelay $0x3  }
0x37: {  	[smem:$0x3FBB] =	sst s10  }
0x38: {  	s10 =	sld [smem:$0x3FBC]  }
0x39: {  	_ = 	snop;
	(pc) =	sbr.ind lr, $3  }
0x3a: {  	_ = 	snop  }
0x3b: {  	_ = 	snop  }
0x3c: {  	p2 =	seq.s32 s10, $0x1;
	s10 =	sld [smem:$0x3FBB]  }
0x3d: {  	_ =	shalt  }
0x3e: {  	_ =	shalt  }
0x3f: {  	_ =	shalt  }
0x40: {  	_ =	shalt  }
0x41: {  	_ =	shalt  }
0x42: {  	_ =	shalt  }
0x43: {  	_ =	shalt  }
0x44: {  	_ =	shalt  }
0x45: {  	_ =	shalt  }
0x46: {  	_ =	shalt  }
0x47: {  	_ =	shalt  }
0x48: {  	_ =	shalt  }
0x49: {  	_ =	shalt  }
0x4a: {  	_ =	shalt  }
0x4b: {  	_ =	shalt  }
0x4c: {  	_ =	shalt  }
0x4d: {  	_ =	shalt  }
0x4e: {  	_ =	shalt  }
0x4f: {  	_ =	shalt  }
0x50: {  	_ =	shalt  }
0x51: {  	_ =	shalt  }
0x52: {  	_ =	shalt  }
0x53: {  	_ =	shalt  }
0x54: {  	_ =	shalt  }
0x55: {  	_ =	shalt  }
0x56: {  	_ =	shalt  }
0x57: {  	_ =	shalt  }
0x58: {  	_ =	shalt  }
0x59: {  	_ =	shalt  }
0x5a: {  	_ =	shalt  }
0x5b: {  	_ =	shalt  }
0x5c: {  	_ =	shalt  }
0x5d: {  	_ =	shalt  }
0x5e: {  	_ =	shalt  }
0x5f: {  	_ =	shalt  }
0x60: {  	_ =	shalt  }
0x61: {  	_ =	shalt  }
0x62: {  	_ =	shalt  }
0x63: {  	_ =	shalt  }
0x64: {  	_ =	shalt  }
0x65: {  	_ =	shalt  }
0x66: {  	_ =	shalt  }
0x67: {  	_ =	shalt  }
0x68: {  	_ =	shalt  }
0x69: {  	_ =	shalt  }
0x6a: {  	_ =	shalt  }
0x6b: {  	_ =	shalt  }
0x6c: {  	_ =	shalt  }
0x6d: {  	_ =	shalt  }
0x6e: {  	_ =	shalt  }
0x6f: {  	_ =	shalt  }
0x70: {  	_ =	shalt  }
0x71: {  	_ =	shalt  }
0x72: {  	_ =	shalt  }
0x73: {  	_ =	shalt  }
0x74: {  	_ =	shalt  }
0x75: {  	_ =	shalt  }
0x76: {  	_ =	shalt  }
0x77: {  	_ =	shalt  }
0x78: {  	_ =	shalt  }
0x79: {  	_ =	shalt  }
0x7a: {  	_ =	shalt  }
0x7b: {  	_ =	shalt  }
0x7c: {  	_ =	shalt  }
0x7d: {  	_ =	shalt  }
0x7e: {  	_ =	shalt  }
0x7f: {  	_ =	shalt  }
0x80: {  	_ =	shalt  }
0x81: {  	_ =	shalt  }
0x82: {  	_ =	shalt  }
0x83: {  	_ =	shalt  }
0x84: {  	_ =	shalt  }
0x85: {  	_ =	shalt  }
0x86: {  	_ =	shalt  }
0x87: {  	_ =	shalt  }
.Lfunc_end0:
.L_simem_size_0:
called_computation_lowered:
.L_overlay_start_0:
0x88: {  	s2 =	sld [smem:$0x3FD9]  }
0x89: {  	s3 =	sld [smem:$0x3FFE];
	_ =	sdelay $0x1  }
0x8a: {  	s1 =	srdreg.scid  }
0x8b: {  	s0 =	sand.u32 $0x1, s1  }
0x8c: {  	s17 =	sshll.u32 s0, $0xA;
	s2 =	sadd.s32 s3, s2  }
0x8d: {  	s2 =	sadd.s32 s2, s17  }
0x8e: {  	[smem:$0x3FC7] =	sst s2  }
0x8f: {  	_ = 	snop  }
0x90: {  	s2 =	sld [smem:$0x3FC9]  }
0x91: {  	s18 =	sld [smem:$0x3FD0];
	(tm) =	ssettm $0x1  }
0x92: {  	s4 =	sld [smem:$0x3FFB];
	_ =	sdelay $0x3  }
0x93: {  	_ =	strace s4  }
0x94: {  	s4 =	sld [smem:$0x3FFC];
	_ =	sdelay $0x3  }
0x95: {  	_ =	strace s4  }
0x96: {  	s4 =	sld [smem:$0x3FFD];
	_ =	sdelay $0x3  }
0x97: {  	_ =	strace s4  }
0x98: {  	_ =	strace $0x8FFFFFFF  }
0x99: {  	s19 =	sld [smem:$0x3FDB];
	_ =	sdelay $0x1  }
0x9a: {  	s5 =	simm.s32 $_scs_section_size  }
0x9b: {  	s6 =	simm.s32 $_size__tile_overlayer_lowered;
	s7 =	simm.s32 $_tile_overlayer_lowered  }
0x9c: {  	s22 =	simm.s32 $0x1BFF;
	s21 =	sshll.u32 s7, $0x1;
	s4 =	sadd.s32 s5, s19  }
0x9d: {  	s8 =	simm.s32 $0x0;
	s20 =	sshll.u32 s6, $0x1;
	s6 =	sadd.s32 s21, s4  }
0x9e: {  	[timem:s8], [sflag:s22] =	dma.local [hbm:s6], s20  }
0x9f: {  	_ =	swait.ge [sflag:s22], s20  }
0xa0: {  	s5 =	ssub.s32 $0x0, s20;
	[sflag:s22] =	ssyncset.done $0x0  }
0xa1: {  	[sflag:s22] =	ssyncadd.s32 s5;
	_ =	sdelay $0x1  }
0xa2: {  	s23 =	simm.s32 $0x1B8B  }
0xa3: {  	_ =	swait.ge [sflag:s23], $0x1  }
0xa4: {  	[sflag:s23] =	ssyncset.done $0x0  }
0xa5: {  	s25 =	simm.s32 $0x1B8E;
	s24 =	sld [smem:$0x3FFE];
	[sflag:s23] =	ssyncadd.s32 $0xFFFFFFFF  }
0xa6: {  	s26 =	simm.s32 $execute0_lowered;
	[smem:$0x3FD2] =	sst s25  }
0xa7: {  	s6 =	sshll.u32 s26, $0x1;
	_ =	strace $0x80000046;
	[dreg:$0x1] =	wrdreg $0xFFFFFFFF  }
0xa8: {  	s28 =	simm.s32 $_size_execute0_lowered;
	s4 =	sadd.s32 s4, s6;
	[dreg:$0x0] =	wrdreg $0x0  }
0xa9: {  	s6 =	sshll.u32 s28, $0x1;
	[dreg:$0x2] =	wrdreg s4  }
0xaa: {  	[dreg:$0x3] =	wrdreg s6  }
0xab: {  	[dreg:$0x4] =	wrdreg $0xC0  }
0xac: {  	_ =	task [dreg:s8], $0x5FFFF  }
0xad: {  	[dreg:$0x1] =	wrdreg $0xFFFFFFFF  }
0xae: {  	[dreg:$0x0] =	wrdreg $0x60  }
0xaf: {  	[dreg:$0x2] =	wrdreg s2  }
0xb0: {  	[dreg:$0x3] =	wrdreg s24  }
0xb1: {  	[dreg:$0x4] =	wrdreg s18  }
0xb2: {  	[dreg:$0x5] =	wrdreg $0x9  }
0xb3: {  	_ =	task.clear_ibuf [dreg:s8], $0x6FFFF;
	_ =	strace $0x90000046  }
0xb4: {  	s29 =	simm.s32 $0x9;
	_ =	strace $0x80000051  }
0xb5: {  	_ =	swait.ge [sflag:s29], $0x1  }
0xb6: {  	[sflag:s29] =	ssyncadd.s32 $0xFFFFFFFF  }
0xb7: {  	_ =	strace $0x90000051  }
0xb8: {  	_ =	sfence  }
0xb9: {  	s30 =	sld [smem:$0x0];
	_ =	sdelay $0x2  }
0xba: {  	s31 =	sshll.u32 s1, $0xD;
	s1 =	sshrl.u32 s1, $0x2  }
0xbb: {  	s3 =	sand.u32 $0x4000, s31;
	s1 =	sadd.s32 s1, s30  }
0xbc: {  	s0 =	sor.u32 s3, s0;
	s1 =	sshll.u32 s1, $0x11  }
0xbd: {  	s0 =	sor.u32 s1, s0  }
0xbe: {  	s0 =	sadd.s32 $0x8F2B, s0  }
0xbf: {  	[sflag:s0] =	ssyncadd.remote.s32 $0x1  }
0xc0: {  	_ =	sfence.sel $0xFFFF  }
0xc1: {  	[dreg:$0x0] =	wrdreg $0xFFFFFFFF;
	(pc) =	sbr.abs _section_cstart, $3  }
0xc2: {  	[dreg:$0x1] =	wrdreg $0xFFFFFFFF  }
0xc3: {  	_ =	task.clear_ibuf [dreg:s8], $0x2FFFF;
	_ =	strace $0x9FFFFFFF  }
0xc4: {  	(tm) =	ssettm $0x7FFFFFFF  }
0xc5: {  	_ =	shalt  }
tec
execute0_lowered:
.L_overlay_start_1:
0x0: {  	(tag) =	ssettag $0x1  }
0x1: {  	s0 =	srdreg.scid  }
0x2: {  	s0 =	sand.u32 $0x1, s0  }
0x3: {  	s2 =	stileid.u32;
	s1 =	sshll.u32 s0, $0x4  }
0x4: {  	s1 =	sor.u32 s2, s1  }
0x5: {  	s2 =	smul.u32 $0x65, s1  }
0x6: {  	s4 =	smul.u32 $0x66, s1  }
0x7: {  	p0 =	slt.u32 s1, $0x12;
	s2 =	sadd.s32 $0x12, s2  }
0x8: {  	s2 =	smov.u32 @p0 s4  }
0x9: {  	s3 =	rddreg [dreg:$0x0];
	s5 =	smul.u32 $0x625, s2  }
0xa: {  	s25 =	rddreg [dreg:$0x1];
	s6 =	simm.s32 $0x0;
	s0 =	ssub.s32 $0x2, s0  }
0xb: {  	[smem:$0x7FF] =	sst s6;
	s28 =	sshrl.u32 s0, $0x1;
	s5 =	sshrl.u32 s5, $0x10  }
0xc: {  	s6 =	sadd.s32 $0x400, s25;
	s0 =	ssub.s32 s0, s28;
	s26 =	ssub.s32 s2, s5  }
0xd: {  	s0 =	smax.u32 s0, $0x1;
	s4 =	rddreg [dreg:$0x2];
	s7 =	sand.u32 $0xFFFE, s26  }
0xe: {  	_ =	strace $0x80000047;
	s9 =	sshll.u32 s2, $0x7;
	s8 =	sshrl.u32 s7, $0x1  }
0xf: {  	[dreg:$0x6] =	wrdreg s0;
	s30 =	sand.u32 $0x1FFFFF80, s9;
	s29 =	sadd.s32 s5, s8  }
0x10: {  	s31 =	sadd.s32 s6, s30;
	s5 =	sshll.u32 s29, $0x3;
	s1 =	sshrl.u32 s29, $0x2  }
0x11: {  	s7 =	simm.s32 $0x66;
	s5 =	sand.u32 $0x7F000, s5;
	s1 =	sand.u32 $0x70, s1  }
0x12: {  	[dreg:$0x5] =	wrdreg s31;
	s7 =	simm.s32 @!p0 $0x65;
	s1 =	sor.u32 s1, s5  }
0x13: {  	s8 =	sshll.u32 s7, $0x2;
	s12 =	sadd.s32 $0xFFFFFFFF, s7;
	s1 =	sadd.s32 s3, s1  }
0x14: {  	v0 =	vimm.f32 $0.0e+00;
	s11 =	sadd.s32 $0xFFFFFFFF, s8;
	[dreg:$0x4] =	wrdreg s1;
	s1 =	simm.s32 $0x0  }
.LBB2_1:
0x15: {  	[dreg:$0x7] =	wrdreg s1;
	s0 =	simm.s32 $0x0;
	s5 =	simm.s32 $0x80  }
0x16: {  	s9 =	simm.s32 $0x400;
	s31 =	simm.s32 $0x800;
	s28 =	simm.s32 $0x0  }
0x17: {  	s19 =	simm.s32 $0x0;
	s18 =	simm.s32 $0x0;
	_ =	strace $0x80000048  }
0x18: {  	s20 =	simm.s32 $0x0;
	s21 =	simm.s32 $0x0;
	s29 =	rddreg [dreg:$0x4]  }
0x19: {  	[tilespmem:s0], [sflag:$0x1] =	stream.strided.gather [hbm4b:s29+s5], $0x400, s9, s5, $0x200038;
	[tilespmem:$0x5000] =	vst v63  }
0x1a: {  	s22 =	simm.s32 $0x1;
	s23 =	simm.s32 $0x0;
	s30 =	rddreg [dreg:$0x5]  }
0x1b: {  	[tilespmem:s31], [sflag:$0x3] =	stream.linear.gather [hbm4b:s30+s0], $0x400, $0x200038;
	[tilespmem:$0x5000] =	vst v63  }
0x1c: {  	s24 =	simm.s32 $0x1;
	s25 =	simm.s32 $0x0;
	_ =	strace $0x90000048  }
.LBB2_2:
0x1d: {  	s26 =	sadd.s32 $0x1, s28  }
0x1e: {  	s0 =	simm.s32 $0x1;
	p0 =	seq.s32 s26, $0x4  }
0x1f: {  	s0 =	simm.s32 @!p0 $0x0  }
0x20: {  	s30 =	smov.u32 s19;
	s19 =	sadd.s32 s0, s19  }
0x21: {  	s29 =	sadd.s32 s2, s30;
	p1 =	seq.s32 s19, s7  }
0x22: {  	s0 =	sshll.u32 s29, $0x3;
	s19 =	simm.s32 @p1 $0x0  }
0x23: {  	s1 =	smulhi.u32 $0x10624DD3, s0;
	s5 =	sshra.s32 s0, $0x1F;
	s31 =	sadd.s32 s2, s19  }
0x24: {  	s5 =	smul.u32 $0x10624DD3, s5;
	s9 =	sshll.u32 s31, $0x3  }
0x25: {  	s10 =	smulhi.u32 $0x10624DD3, s9;
	s14 =	sshra.s32 s9, $0x1F  }
0x26: {  	s14 =	smul.u32 $0x10624DD3, s14  }
0x27: {  	s1 =	sadd.s32 s5, s1  }
0x28: {  	s5 =	sshrl.u32 s1, $0x1F;
	s1 =	sshra.s32 s1, $0x6;
	s10 =	sadd.s32 s14, s10  }
0x29: {  	s1 =	sadd.s32 s5, s1;
	s17 =	sshrl.u32 s10, $0x1F;
	s10 =	sshra.s32 s10, $0x6  }
0x2a: {  	s13 =	smul.u32 $0xFFFFFC18, s1;
	s5 =	sadd.s32 s17, s10  }
0x2b: {  	s15 =	smul.u32 $0xFFFFFC18, s5  }
0x2c: {  	s16 =	ssub.s32 $0x0, s0;
	p5 =	slt.s32 s0, $0x1;
	s17 =	ssub.s32 $0x0, s9  }
0x2d: {  	p6 =	slt.s32 s9, $0x1;
	p2 =	sne.s32 s13, s16;
	p3 =	sne.s32 s15, s17  }
0x2e: {  	s0 =	simm.s32 $0x1;
	p1 =	por !p5, !p2;
	p2 =	por !p6, !p3  }
0x2f: {  	s9 =	simm.s32 $0x1;
	p1 =	por !p1, !p1;
	p2 =	por !p2, !p2  }
0x30: {  	s0 =	simm.s32 @!p1 $0x0;
	s9 =	simm.s32 @!p2 $0x0  }
0x31: {  	s26 =	simm.s32 @p0 $0x0;
	s0 =	ssub.s32 s1, s0;
	s1 =	ssub.s32 s5, s9  }
0x32: {  	p2 =	sne.s32 s28, s26;
	p4 =	sne.s32 s0, s1  }
0x33: {  	p5 =	slt.u32 s25, s11;
	p0 =	por p2, p4  }
0x34: {  	s0 =	simm.s32 @!p0 $0x0;
	p6 =	por !p5, !p0  }
0x35: {  	p1 =	sne.s32 s30, s19;
	s0 =	simm.s32 @p0 $0x1;
	p4 =	por !p6, !p6  }
0x36: {  	p3 =	por !p5, !p1;
	[smem:$0x7FD] =	sst s0;
	s0 =	sshll.u32 @p4 s1, $0xC  }
0x37: {  	s5 =	sshll.u32 @p4 s26, $0xD;
	s1 =	sshll.u32 @p4 s1, $0x7;
	s0 =	sand.u32 @p4 $0xFFFF8000, s0  }
0x38: {  	p5 =	por !p3, !p3;
	s1 =	sand.u32 @p4 $0x380, s1;
	s0 =	sadd.s32 @p4 s5, s0  }
0x39: {  	s9 =	simm.s32 @p4 $0x80;
	s10 =	simm.s32 @p4 $0x400;
	s0 =	sor.u32 @p4 s1, s0  }
0x3a: {  	_ =	strace @p4 $0x80000049;
	s1 =	sand.u32 @p4 $0x1, s24;
	s0 =	sshrl.u32 @p4 s0, $0x3  }
0x3b: {  	s5 =	sshll.u32 @p4 s1, $0xA;
	s1 =	sadd.s32 @p4 $0x1, s1;
	s0 =	sadd.s32 @p4 s3, s0  }
0x3c: {  	[tilespmem:s5], [sflag:s1] =	stream.strided.gather @p4 [hbm4b:s0+s9], $0x400, s10, s9, $0x200038;
	[tilespmem:$0x5000] =	vst v63  }
0x3d: {  	p3 =	seq.s32 s28, $0x0;
	s0 =	sand.u32 @p5 $0x1, s22;
	s5 =	sshll.u32 @p5 s31, $0x7  }
0x3e: {  	s9 =	simm.s32 $0x1;
	s10 =	simm.s32 @p5 $0x0;
	_ =	strace @p4 $0x90000049  }
0x3f: {  	s1 =	sshll.u32 @p5 s0, $0xA;
	s5 =	sand.u32 @p5 $0x1FFFFF80, s5;
	s0 =	sadd.s32 @p5 $0x3, s0  }
0x40: {  	_ =	strace @p5 $0x8000004A;
	s1 =	sor.u32 @p5 $0x800, s1;
	s5 =	sadd.s32 @p5 s6, s5  }
0x41: {  	[tilespmem:s1], [sflag:s0] =	stream.linear.gather @p5 [hbm4b:s5+s10], $0x400, $0x200038;
	[tilespmem:$0x5000] =	vst v63  }
0x42: {  	s9 =	simm.s32 @!p3 $0x0;
	s10 =	sand.u32 $0x1, s23;
	_ =	strace @p5 $0x9000004A  }
0x43: {  	s13 =	ssub.s32 s30, s9;
	s0 =	sadd.s32 $0x1, s10;
	_ =	strace $0x8000004B  }
0x44: {  	p0 =	sne.s32 s12, s30;
	p6 =	seq.s32 s13, $0xFFFFFFFF;
	_ =	swait.ge [sflag:s0], $0x400  }
0x45: {  	p0 =	por @!p6 p3, p3;
	p3 =	seq.s32 s25, $0x0;
	[sflag:s0] =	ssyncset.done $0x0  }
0x46: {  	p0 =	por p3, p0;
	[sflag:s0] =	ssyncadd.s32 $0xFFFFFC00  }
0x47: {  	s0 =	sand.u32 @p0 $0x1, s21;
	_ =	strace $0x9000004B  }
0x48: {  	s0 =	sadd.s32 @p0 $0x3, s0;
	_ =	strace @p0 $0x8000004C  }
0x49: {  	s14 =	sshll.u32 s21, $0xA;
	s15 =	sshll.u32 s23, $0xA;
	_ =	swait.ge @p0 [sflag:s0], $0x400  }
0x4a: {  	s30 =	sand.u32 $0x1, s20;
	s1 =	simm.s32 $0x1;
	[sflag:s0] =	ssyncset.done @p0 $0x0  }
0x4b: {  	s17 =	sshll.u32 s30, $0xD;
	[sflag:s0] =	ssyncadd.s32 @p0 $0xFFFFFC00;
	s0 =	simm.s32 $0x1  }
0x4c: {  	s1 =	simm.s32 @!p5 $0x0;
	s31 =	sor.u32 $0x1000, s17;
	s0 =	simm.s32 @!p4 $0x0  }
0x4d: {  	s22 =	sadd.s32 s1, s22;
	s24 =	sadd.s32 s0, s24;
	s0 =	sand.u32 $0x400, s14  }
0x4e: {  	s1 =	sand.u32 $0x400, s15;
	_ =	strace @p0 $0x9000004C;
	s16 =	sor.u32 $0x800, s0  }
0x4f: {  	_ =	strace $0x8000004D;
	s14 =	simm.s32 $0x0;
	s0 =	simm.s32 $0x0;
	v1 =	vmov s16  }
.LBB2_3:
0x50: {  	_ =	sdelay $0x1  }
0x51: {  	s5 =	sshll.u32 s14, $0x7  }
0x52: {  	s5 =	sand.u32 $0x3FFFFF80, s5  }
0x53: {  	v2 =	vld.idx.msk [tilespmem:v1+s5+$0x0 ss:$0x1], $0x1;
	_ =	sdelay $0x1  }
0x54: {  	v3 =	vld [tilespmem:s1+$0x0];
	_ =	sdelay $0x2  }
0x55: {  	v2 =	vbroadcast v2, $0x0  }
0x56: {  	s17 =	sand.u32 $0x1C00, s0;
	s15 =	sadd.s32 s5, s31  }
0x57: {  	s9 =	sand.u32 $0x70, s0;
	s5 =	sadd.s32 s17, s15;
	vm0 =	veq.s32 v3, v2  }
0x58: {  	s5 =	sadd.s32 s9, s5;
	v3 =	vsel vm0, $0x3F800000, v0  }
0x59: {  	s16 =	sadd.s32 $0x10, s1;
	[tilespmem:s5+$0x0] =	vst v3  }
0x5a: {  	s10 =	simm.s32 $0x20;
	s9 =	simm.s32 $0x0;
	s5 =	simm.s32 $0x10;
	v3 =	vld [tilespmem:s16+$0x0]  }
.LBB2_4:
0x5b: {  	p4 =	sne.s32 s10, $0x3F0;
	_ =	sdelay $0x1  }
0x5c: {  	s9 =	sadd.s32 $0x80, s9  }
.Ltmp0:
0x5d: {  	s13 =	sand.u32 $0x1C00, s9;
	(pc) =	sbr.rel @p4 .LBB2_4-.Ltmp0, $4  }
0x5e: {  	s17 =	sand.u32 $0x70, s5;
	s5 =	smov.u32 s10;
	s13 =	sadd.s32 s13, s15;
	vm0 =	veq.s32 v3, v2  }
0x5f: {  	s13 =	sadd.s32 s17, s13;
	v3 =	vsel vm0, $0x3F800000, v0  }
0x60: {  	s16 =	sadd.s32 $0x10, s16;
	[tilespmem:s13+$0x0] =	vst v3  }
0x61: {  	s10 =	sadd.s32 $0x10, s10;
	v3 =	vld [tilespmem:s16+$0x0]  }
0x62: {  	s14 =	sadd.s32 $0x1, s14  }
0x63: {  	p0 =	sne.s32 s14, $0x8  }
.Ltmp1:
0x64: {  	s9 =	sadd.s32 $0x80, s9;
	(pc) =	sbr.rel @p0 .LBB2_3-.Ltmp1, $4  }
0x65: {  	s9 =	sand.u32 $0x1C00, s9  }
0x66: {  	s5 =	sand.u32 $0x70, s5;
	s9 =	sadd.s32 s9, s15;
	vm0 =	veq.s32 v3, v2  }
0x67: {  	s5 =	sadd.s32 s5, s9;
	v2 =	vsel vm0, $0x3F800000, v0  }
0x68: {  	[tilespmem:s5+$0x0] =	vst v2  }
0x69: {  	p4 =	seq.s32 s25, s11;
	p0 =	por p2, p1  }
0x6a: {  	p2 =	por p4, p0  }
0x6b: {  	s0 =	sshll.u32 @p2 s29, $0xF;
	s1 =	sshll.u32 @p2 s28, $0xD  }
0x6c: {  	_ =	strace $0x9000004D;
	s0 =	sadd.s32 @p2 s1, s0  }
0x6d: {  	_ =	strace @p2 $0x8000004E;
	s0 =	sshrl.u32 @p2 s0, $0x3  }
0x6e: {  	s5 =	simm.s32 @p2 $0x0;
	s1 =	sadd.s32 @p2 $0x5, s30;
	s0 =	sadd.s32 @p2 s4, s0  }
0x6f: {  	[hbm4b:s0+s5] =	stream.linear.scatter @p2 [tilespmem:s31], [sflag:s1], $0x2000, $0x200038;
	[tilespmem:$0x5000] =	vst v63  }
0x70: {  	s0 =	sand.u32 @!p3 $0x1, s18;
	_ =	strace @p2 $0x9000004E  }
0x71: {  	s0 =	sadd.s32 @!p3 $0x5, s0;
	_ =	strace @!p3 $0x8000004F  }
0x72: {  	_ =	swait.ge @!p3 [sflag:s0], $0x2000  }
0x73: {  	[sflag:s0] =	ssyncset.done @!p3 $0x0  }
0x74: {  	[sflag:s0] =	ssyncadd.s32 @!p3 $0xFFFFE000  }
0x75: {  	_ =	strace @!p3 $0x9000004F  }
0x76: {  	s31 =	sld [smem:$0x7FD]  }
0x77: {  	s1 =	simm.s32 $0x1  }
0x78: {  	p0 =	sne.s32 s25, $0x0;
	s25 =	sadd.s32 $0x1, s25;
	s1 =	simm.s32 @!p2 $0x0  }
0x79: {  	s20 =	sadd.s32 s1, s20;
	s0 =	simm.s32 $0x1;
	p6 =	seq.s32 s31, $0x1  }
0x7a: {  	s1 =	simm.s32 $0x1;
	s0 =	simm.s32 @!p0 $0x0;
	p0 =	por p4, p6  }
0x7b: {  	s1 =	simm.s32 @!p0 $0x0;
	p0 =	sne.s32 s25, s8  }
.Ltmp2:
0x7c: {  	_ = 	snop;
	(pc) =	sbr.rel @p0 .LBB2_2-.Ltmp2, $4  }
0x7d: {  	_ = 	snop  }
0x7e: {  	p1 =	por p4, p1;
	s5 =	simm.s32 $0x1  }
0x7f: {  	s28 =	smov.u32 s26;
	s5 =	simm.s32 @!p1 $0x0  }
0x80: {  	s21 =	sadd.s32 s5, s21;
	s18 =	sadd.s32 s0, s18;
	s23 =	sadd.s32 s1, s23  }
0x81: {  	s0 =	sand.u32 $0x1, s18  }
0x82: {  	_ =	strace $0x80000050;
	s0 =	sadd.s32 $0x5, s0  }
0x83: {  	_ =	swait.ge [sflag:s0], $0x2000  }
0x84: {  	s1 =	rddreg [dreg:$0x7]  }
0x85: {  	s31 =	rddreg [dreg:$0x6];
	s1 =	sadd.s32 $0x1, s1  }
0x86: {  	p0 =	sne.s32 s1, s31  }
.Ltmp3:
0x87: {  	_ = 	snop;
	(pc) =	sbr.rel @p0 .LBB2_1-.Ltmp3, $4  }
0x88: {  	_ = 	snop  }
0x89: {  	[sflag:s0] =	ssyncset.done $0x0  }
0x8a: {  	[sflag:s0] =	ssyncadd.s32 $0xFFFFE000  }
0x8b: {  	_ =	strace $0x90000050  }
0x8c: {  	_ =	sfence.sel $0x180000  }
0x8d: {  	[bflag:$0x0] =	sbarrier.arrive $0xFFFF  }
0x8e: {  	_ =	strace $0x90000047  }
0x8f: {  	s0 =	stileid.u32;
	[bflag:$0x2] =	sbarrier.arrive $0xFFFF  }
0x90: {  	p0 =	sne.s32 s0, $0x0;
	s0 =	rddreg [dreg:$0x3]  }
0x91: {  	s0 =	sadd.s32 @!p0 $0x100000, s0  }
0x92: {  	[sflag:s0] =	ssyncadd.tile.s32 @!p0 $0x1;
	_ =	shalt  }
.Lfunc_end2:
_tile_overlayer_lowered:
.L_overlay_start_2:
0x93: {  	(tag) =	ssettag $0x2  }
0x94: {  	s0 =	rddreg [dreg:$0x0];
	s2 =	stileid.u32  }
0x95: {  	s1 =	rddreg [dreg:$0x1];
	p0 =	sne.s32 s2, $0x0  }
0x96: {  	s3 =	rddreg [dreg:$0x2];
	[bflag:$0x3] =	sbarrier.arrive $0xFFFF;
	s2 =	simm.s32 @!p0 $0x1C01  }
0x97: {  	[timem:s3], [sflag:s2] =	dma.local @!p0 [hbm:s0], s1  }
0x98: {  	s0 =	simm.s32 @!p0 $0x1  }
0x99: {  	_ =	swait.ge @!p0 [sflag:s0], s1  }
0x9a: {  	s1 =	ssub.s32 @!p0 $0x0, s1;
	[sflag:s0] =	ssyncset.done @!p0 $0x0  }
0x9b: {  	[sflag:s0] =	ssyncadd.s32 @!p0 s1  }
0x9c: {  	[bflag:$0x3] =	sbarrier.arrive $0xFFFF  }
0x9d: {  	_ =	shalt  }

</sc_bundles>
